<compile_context>
chip_gen: v7x
topology: tpu7x:2x2x1
jax: 0.10.2.dev20260603
libtpu: 0.0.44.dev20260713+nightly
codegen_flags: <defaults>
</compile_context>

<pallas_src>
import functools

import jax
import jax.numpy as jnp
from jax import lax
from jax.experimental import pallas as pl
from jax.experimental.pallas import tpu as pltpu
from jax.experimental.pallas import tpu_sc as plsc

NC = 2
NS = 16
NW = NC * NS
C = 128
NB = 2
QS = 8


def _agg_kernel(npad, d, k0, k1):
    mesh = plsc.VectorSubcoreMesh(core_axis_name="c", subcore_axis_name="s")
    rows_per_tile = npad // NS
    assert k0 % QS == 0 and k1 % QS == 0

    @functools.partial(
        pl.kernel,
        out_type=jax.ShapeDtypeStruct((NC, npad, d), jnp.float32),
        mesh=mesh,
        scratch_types=[
            pltpu.VMEM((QS, C), jnp.int32),
            pltpu.VMEM((QS, C), jnp.int32),
            [pltpu.VMEM((C, d), jnp.float32) for _ in range(NB)],
            pltpu.VMEM_SHARED((npad, d), jnp.float32),
            [pltpu.SemaphoreType.DMA for _ in range(NB)],
            [pltpu.SemaphoreType.DMA for _ in range(NB)],
        ],
    )
    def agg(h_hbm, src_hbm, dst_hbm, zero_hbm, out_hbm,
            src_v, dst_v, bufs, acc, gsems, ssems):
        cid = lax.axis_index("c")
        sid = lax.axis_index("s")
        sl = pl.ds(sid * rows_per_tile, rows_per_tile)
        pltpu.sync_copy(zero_hbm.at[sl], acc.at[sl])
        plsc.subcore_barrier()

        def run_core(kc, base):
            if kc == 0:
                return
            qs = QS

            def run_stage(q, carry):
                row0 = base + q * qs
                pltpu.sync_copy(src_hbm.at[pl.ds(row0, qs)], src_v)
                pltpu.sync_copy(dst_hbm.at[pl.ds(row0, qs)], dst_v)

                def body(it, carry2):
                    for p in range(NB):
                        j = it * NB + p
                        pn = (p + 1) % NB

                        @pl.when(j >= NB)
                        def _():
                            pltpu.make_async_copy(
                                bufs[p], acc.at[dst_v.at[0]], ssems[p]).wait()

                        @pl.when(j < qs)
                        def _():
                            pltpu.async_copy(h_hbm.at[src_v.at[j]], bufs[p],
                                             gsems[p])

                        @pl.when((j >= NB - 1) & (j < qs + NB - 1))
                        def _():
                            pltpu.make_async_copy(
                                h_hbm.at[src_v.at[0]], bufs[pn],
                                gsems[pn]).wait()
                            pltpu.async_copy(
                                bufs[pn], acc.at[dst_v.at[j - NB + 1]],
                                ssems[pn], add=True)
                    return carry2

                lax.fori_loop(0, (qs + NB) // NB, body, 0)
                return carry

            lax.fori_loop(0, kc // QS, run_stage, 0)

        @pl.when(cid == 0)
        def _():
            run_core(k0, sid * k0)

        @pl.when(cid == 1)
        def _():
            run_core(k1, NS * k0 + sid * k1)

        plsc.subcore_barrier()
        pltpu.sync_copy(acc.at[sl], out_hbm.at[cid, sl])

    return agg


def _deg_kernel(npad, k):
    mesh = plsc.VectorSubcoreMesh(core_axis_name="c", subcore_axis_name="s")
    per_tile = npad // NS

    @functools.partial(
        pl.kernel,
        out_type=jax.ShapeDtypeStruct((NC, npad), jnp.float32),
        mesh=mesh,
        scratch_types=[
            pltpu.VMEM((k, C), jnp.int32),
            pltpu.VMEM((C,), jnp.float32),
            pltpu.VMEM_SHARED((npad,), jnp.float32),
        ],
    )
    def deg(dst_hbm, zero_hbm, out_hbm, dst_v, ones_v, acc):
        cid = lax.axis_index("c")
        sid = lax.axis_index("s")
        wid = sid * NC + cid
        sl = pl.ds(sid * per_tile, per_tile)
        pltpu.sync_copy(zero_hbm.at[sl], acc.at[sl])
        pltpu.sync_copy(dst_hbm.at[pl.ds(wid * k, k)], dst_v)
        for i in range(C // 16):
            ones_v[pl.ds(i * 16, 16)] = jnp.ones((16,), jnp.float32)
        plsc.subcore_barrier()

        def body(j, carry):
            pltpu.sync_copy(ones_v, acc.at[dst_v.at[j]], add=True)
            return carry

        lax.fori_loop(0, k, body, 0)
        plsc.subcore_barrier()
        pltpu.sync_copy(acc.at[sl], out_hbm.at[cid, sl])

    return deg


def _tc_pre(x_p, W1, deg2d, block):
    npad, d = x_p.shape

    def body(x_ref, w_ref, deg_ref, out_ref):
        h = jnp.dot(x_ref[...], w_ref[...], preferred_element_type=jnp.float32)
        out_ref[...] = h * lax.rsqrt(deg_ref[...])

    return pl.pallas_call(
        body,
        grid=(npad // block,),
        in_specs=[
            pl.BlockSpec((block, d), lambda i: (i, 0)),
            pl.BlockSpec((d, d), lambda i: (0, 0)),
            pl.BlockSpec((block, 1), lambda i: (i, 0)),
        ],
        out_specs=pl.BlockSpec((block, d), lambda i: (i, 0)),
        out_shape=jax.ShapeDtypeStruct((npad, d), jnp.float32),
    )(x_p, W1, deg2d)


def _tc_mid(aggp, hp, deg2d, b_2d, a_2d, W2, block):
    _, npad, d = aggp.shape

    def body(agg_ref, hp_ref, deg_ref, b_ref, a_ref, w_ref, out_ref):
        dinv = lax.rsqrt(deg_ref[...])
        s = agg_ref[0] + agg_ref[1] + hp_ref[...]
        z = s * dinv + b_ref[...]
        p = jnp.where(z > 0, z, a_ref[...] * z)
        h2 = jnp.dot(p, w_ref[...], preferred_element_type=jnp.float32)
        out_ref[...] = h2 * dinv

    return pl.pallas_call(
        body,
        grid=(npad // block,),
        in_specs=[
            pl.BlockSpec((2, block, d), lambda i: (0, i, 0)),
            pl.BlockSpec((block, d), lambda i: (i, 0)),
            pl.BlockSpec((block, 1), lambda i: (i, 0)),
            pl.BlockSpec((1, d), lambda i: (0, 0)),
            pl.BlockSpec((1, d), lambda i: (0, 0)),
            pl.BlockSpec((d, d), lambda i: (0, 0)),
        ],
        out_specs=pl.BlockSpec((block, d), lambda i: (i, 0)),
        out_shape=jax.ShapeDtypeStruct((npad, d), jnp.float32),
    )(aggp, hp, deg2d, b_2d, a_2d, W2)


def _tc_post(aggp, hp, deg2d, b_2d, a_2d, block):
    _, npad, d = aggp.shape

    def body(agg_ref, hp_ref, deg_ref, b_ref, a_ref, out_ref):
        dinv = lax.rsqrt(deg_ref[...])
        z = (agg_ref[0] + agg_ref[1] + hp_ref[...]) * dinv + b_ref[...]
        out_ref[...] = jnp.where(z > 0, z, a_ref[...] * z)

    return pl.pallas_call(
        body,
        grid=(npad // block,),
        in_specs=[
            pl.BlockSpec((2, block, d), lambda i: (0, i, 0)),
            pl.BlockSpec((block, d), lambda i: (i, 0)),
            pl.BlockSpec((block, 1), lambda i: (i, 0)),
            pl.BlockSpec((1, d), lambda i: (0, 0)),
            pl.BlockSpec((1, d), lambda i: (0, 0)),
        ],
        out_specs=pl.BlockSpec((block, d), lambda i: (i, 0)),
        out_shape=jax.ShapeDtypeStruct((npad, d), jnp.float32),
    )(aggp, hp, deg2d, b_2d, a_2d)


def kernel(x, edge_index, W1, b1, a1, W2, b2, a2):
    n, d = x.shape
    e = edge_index.shape[1]
    npad = 10240 if n == 10000 else ((n + 8 * NW) // (8 * NW)) * (8 * NW)
    k = ((e + C * NW - 1) // (C * NW) + 15) // 16 * 16
    epad = k * C * NW
    k1 = max(8, (2 * k) // 20 // 8 * 8)
    k0 = 2 * k - k1
    block = 512

    src = edge_index[0].astype(jnp.int32)
    dst = edge_index[1].astype(jnp.int32)
    pad = jnp.full((epad - e,), n, dtype=jnp.int32)
    src_p = jnp.concatenate([src, pad]).reshape(epad // C, C)
    dst_p = jnp.concatenate([dst, pad]).reshape(epad // C, C)
    x_p = jnp.zeros((npad, d), jnp.float32).at[:n].set(x)
    z1 = jnp.zeros((npad,), jnp.float32)
    z2 = jnp.zeros((npad, d), jnp.float32)

    degp = _deg_kernel(npad, k)(dst_p, z1)
    deg2d = (degp[0] + degp[1] + 1.0).reshape(npad, 1)

    agg = _agg_kernel(npad, d, k0, k1)
    h1p = _tc_pre(x_p, W1, deg2d, block)
    a1g = agg(h1p, src_p, dst_p, z2)
    h2p = _tc_mid(a1g, h1p, deg2d, b1.reshape(1, d), a1.reshape(1, d),
                  W2, block)
    a2g = agg(h2p, src_p, dst_p, z2)
    out = _tc_post(a2g, h2p, deg2d, b2.reshape(1, d), a2.reshape(1, d), block)
    return out[:n]

# --- scband reference (transcript-rebuilt; emitter-appended) ---
"""Pipeline reference for scband-graph-encoder-1623497638364 (READ-ONLY COPY).

The authoritative reference and input builder live on the scoring server;
editing this copy changes nothing except your own understanding.
"""

import jax, jax.numpy as jnp
import numpy as np

N_NODES = 10000
N_EDGES = 320000
D_IN = 128
D_HID = 128


def setup_inputs(seed: int = 0) -> dict:
    key = jax.random.key(seed)
    k_x, k_e, k_w1, k_w2, k_b1, k_b2 = jax.random.split(key, 6)
    x = jax.random.normal(k_x, (N_NODES, D_IN), dtype=jnp.float32)
    edge_index = jax.random.randint(k_e, (2, N_EDGES), 0, N_NODES, dtype=jnp.int64 if jax.config.read('jax_enable_x64') else jnp.int32).astype(jnp.int32)
    # Glorot-style init for GCN weights
    s1 = (6.0 / (D_IN + D_HID)) ** 0.5
    W1 = jax.random.uniform(k_w1, (D_IN, D_HID), minval=-s1, maxval=s1, dtype=jnp.float32)
    b1 = jnp.zeros((D_HID,), dtype=jnp.float32)
    s2 = (6.0 / (D_HID + D_HID)) ** 0.5
    W2 = jax.random.uniform(k_w2, (D_HID, D_HID), minval=-s2, maxval=s2, dtype=jnp.float32)
    b2 = jnp.zeros((D_HID,), dtype=jnp.float32)
    # PReLU weights (torch default init 0.25, per-channel)
    a1 = jnp.full((D_HID,), 0.25, dtype=jnp.float32)
    a2 = jnp.full((D_HID,), 0.25, dtype=jnp.float32)
    return {"x": x, "edge_index": edge_index, "W1": W1, "b1": b1, "a1": a1, "W2": W2, "b2": b2, "a2": a2}


def _gcn_conv(x, src, dst, W, b):
    # GCNConv with add_self_loops=True, symmetric normalization:
    # out = D^{-1/2} (A + I) D^{-1/2} X W + b
    N = x.shape[0]
    loop = jnp.arange(N, dtype=src.dtype)
    src_sl = jnp.concatenate([src, loop])
    dst_sl = jnp.concatenate([dst, loop])
    deg = jnp.zeros((N,), dtype=x.dtype).at[dst_sl].add(1.0)
    dinv = jnp.where(deg > 0, jax.lax.rsqrt(deg), 0.0)
    norm = dinv[src_sl] * dinv[dst_sl]
    h = x @ W
    msg = h[src_sl] * norm[:, None]
    out = jnp.zeros((N, W.shape[1]), dtype=x.dtype).at[dst_sl].add(msg)
    return out + b


def _prelu(x, a):
    return jnp.where(x > 0, x, a * x)


def reference(x, edge_index, W1, b1, a1, W2, b2, a2):
    src = edge_index[0]
    dst = edge_index[1]
    h = _gcn_conv(x, src, dst, W1, b1)
    h = _prelu(h, a1)
    h = _gcn_conv(h, src, dst, W2, b2)
    h = _prelu(h, a2)
    return h

if __name__ == "__main__":
    import jax
    _d = setup_inputs()
    print(jax.jit(kernel)(*tuple(_d.values())))

</pallas_src>

<mosaic_0001>
#map = affine_map<(d0, d1) -> (0, 0)>
#map1 = affine_map<(d0, d1) -> (0)>
module attributes {stable_mosaic.version = 14 : i64} {
  func.func @deg(%arg0: i32, %arg1: i32, %arg2: memref<2560x128xi32, #tpu.memory_space<hbm>>, %arg3: memref<10240xf32, #tpu.memory_space<hbm>>, %arg4: memref<2x10240xf32, #tpu.memory_space<hbm>>, %arg5: memref<80x128xi32, #tpu.memory_space<vmem>>, %arg6: memref<128xf32, #tpu.memory_space<vmem>>, %arg7: memref<10240xf32, #tpu.memory_space<vmem_shared>>) attributes {dimension_semantics = [#tpu.dimension_semantics<core_parallel>, #tpu.dimension_semantics<subcore_parallel>], iteration_bounds = array<i64: 2, 16>, scalar_prefetch = 0 : i64, scratch_operands = 3 : i64, tpu.core_type = #tpu.core_type<sc_vector_subcore>, window_params = [{transform_indices = #map}, {transform_indices = #map1}, {transform_indices = #map}]} {
    %mul3A = arith.constant 2 : i32
    %mul3A_0 = arith.muli %arg1, %mul3A : i32
    %add3A = arith.addi %mul3A_0, %arg0 : i32
    %mul3A_1 = arith.constant 640 : i32
    %mul3A_2 = arith.muli %arg1, %mul3A_1 : i32
    "tpu.region"() ({
      %run_scoped3A = tpu.sem_alloc : memref<!tpu.dma_semaphore, #tpu.memory_space<semaphore_mem>>
      %dma_start3A = tpu.memref_slice %arg7[%mul3A_2] : memref<10240xf32, #tpu.memory_space<vmem_shared>> -> memref<640xf32, #tpu.memory_space<vmem_shared>>
      %dma_start3A_57 = tpu.memref_slice %arg3[%mul3A_2] : memref<10240xf32, #tpu.memory_space<hbm>> -> memref<640xf32, #tpu.memory_space<hbm>>
      tpu.enqueue_dma source(%dma_start3A_57 : memref<640xf32, #tpu.memory_space<hbm>>) target(%dma_start3A : memref<640xf32, #tpu.memory_space<vmem_shared>>) target_semaphore(%run_scoped3A : memref<!tpu.dma_semaphore, #tpu.memory_space<semaphore_mem>>)
      %dma_wait3A = tpu.memref_slice %arg7[%mul3A_2] : memref<10240xf32, #tpu.memory_space<vmem_shared>> -> memref<640xf32, #tpu.memory_space<vmem_shared>>
      %dma_wait3A_58 = tpu.memref_slice %arg3[%mul3A_2] : memref<10240xf32, #tpu.memory_space<hbm>> -> memref<640xf32, #tpu.memory_space<hbm>>
      tpu.wait_dma2 semaphore(%run_scoped3A : memref<!tpu.dma_semaphore, #tpu.memory_space<semaphore_mem>>) src(%dma_wait3A_58 : memref<640xf32, #tpu.memory_space<hbm>>) dst(%dma_wait3A : memref<640xf32, #tpu.memory_space<vmem_shared>>)
      tpu.yield
    }) : () -> ()
    %mul3A_3 = arith.constant 80 : i32
    %mul3A_4 = arith.muli %add3A, %mul3A_3 : i32
    "tpu.region"() ({
      %run_scoped3A = tpu.sem_alloc : memref<!tpu.dma_semaphore, #tpu.memory_space<semaphore_mem>>
      %dma_start3A = arith.constant 0 : i32
      %dma_start3A_57 = tpu.memref_slice %arg2[%mul3A_4, %dma_start3A] : memref<2560x128xi32, #tpu.memory_space<hbm>> -> memref<80x128xi32, #tpu.memory_space<hbm>>
      %dma_start3A_58 = arith.constant 0 : i32
      %dma_start3A_59 = tpu.memref_slice %arg2[%mul3A_4, %dma_start3A_58] : memref<2560x128xi32, #tpu.memory_space<hbm>> -> memref<80x128xi32, #tpu.memory_space<hbm>>
      tpu.enqueue_dma source(%dma_start3A_59 : memref<80x128xi32, #tpu.memory_space<hbm>>) target(%arg5 : memref<80x128xi32, #tpu.memory_space<vmem>>) target_semaphore(%run_scoped3A : memref<!tpu.dma_semaphore, #tpu.memory_space<semaphore_mem>>)
      %dma_wait3A = arith.constant 0 : i32
      %dma_wait3A_60 = tpu.memref_slice %arg2[%mul3A_4, %dma_wait3A] : memref<2560x128xi32, #tpu.memory_space<hbm>> -> memref<80x128xi32, #tpu.memory_space<hbm>>
      %dma_wait3A_61 = arith.constant 0 : i32
      %dma_wait3A_62 = tpu.memref_slice %arg2[%mul3A_4, %dma_wait3A_61] : memref<2560x128xi32, #tpu.memory_space<hbm>> -> memref<80x128xi32, #tpu.memory_space<hbm>>
      tpu.wait_dma2 semaphore(%run_scoped3A : memref<!tpu.dma_semaphore, #tpu.memory_space<semaphore_mem>>) src(%dma_wait3A_62 : memref<80x128xi32, #tpu.memory_space<hbm>>) dst(%arg5 : memref<80x128xi32, #tpu.memory_space<vmem>>)
      tpu.yield
    }) : () -> ()
    %broadcast_in_dim3A = arith.constant 1.000000e+00 : f32
    %broadcast_in_dim3A_5 = vector.broadcast %broadcast_in_dim3A : f32 to vector<16xf32>
    %swap3A = arith.constant 0 : index
    %swap3A_6 = tpu.vector_load %arg6[%swap3A] {strides = array<i32>} : memref<128xf32, #tpu.memory_space<vmem>>, vector<16xf32>,
    %swap3A_7 = vector.shape_cast %swap3A_6 : vector<16xf32> to vector<16xf32>
    %swap3A_8 = vector.shape_cast %broadcast_in_dim3A_5 : vector<16xf32> to vector<16xf32>
    tpu.vector_store %arg6[%swap3A], %swap3A_8 {strides = array<i32>} : memref<128xf32, #tpu.memory_space<vmem>>, vector<16xf32>,
    %broadcast_in_dim3A_9 = arith.constant 1.000000e+00 : f32
    %broadcast_in_dim3A_10 = vector.broadcast %broadcast_in_dim3A_9 : f32 to vector<16xf32>
    %swap3A_11 = arith.constant 16 : index
    %swap3A_12 = tpu.vector_load %arg6[%swap3A_11] {strides = array<i32>} : memref<128xf32, #tpu.memory_space<vmem>>, vector<16xf32>,
    %swap3A_13 = vector.shape_cast %swap3A_12 : vector<16xf32> to vector<16xf32>
    %swap3A_14 = vector.shape_cast %broadcast_in_dim3A_10 : vector<16xf32> to vector<16xf32>
    tpu.vector_store %arg6[%swap3A_11], %swap3A_14 {strides = array<i32>} : memref<128xf32, #tpu.memory_space<vmem>>, vector<16xf32>,
    %broadcast_in_dim3A_15 = arith.constant 1.000000e+00 : f32
    %broadcast_in_dim3A_16 = vector.broadcast %broadcast_in_dim3A_15 : f32 to vector<16xf32>
    %swap3A_17 = arith.constant 32 : index
    %swap3A_18 = tpu.vector_load %arg6[%swap3A_17] {strides = array<i32>} : memref<128xf32, #tpu.memory_space<vmem>>, vector<16xf32>,
    %swap3A_19 = vector.shape_cast %swap3A_18 : vector<16xf32> to vector<16xf32>
    %swap3A_20 = vector.shape_cast %broadcast_in_dim3A_16 : vector<16xf32> to vector<16xf32>
    tpu.vector_store %arg6[%swap3A_17], %swap3A_20 {strides = array<i32>} : memref<128xf32, #tpu.memory_space<vmem>>, vector<16xf32>,
    %broadcast_in_dim3A_21 = arith.constant 1.000000e+00 : f32
    %broadcast_in_dim3A_22 = vector.broadcast %broadcast_in_dim3A_21 : f32 to vector<16xf32>
    %swap3A_23 = arith.constant 48 : index
    %swap3A_24 = tpu.vector_load %arg6[%swap3A_23] {strides = array<i32>} : memref<128xf32, #tpu.memory_space<vmem>>, vector<16xf32>,
    %swap3A_25 = vector.shape_cast %swap3A_24 : vector<16xf32> to vector<16xf32>
    %swap3A_26 = vector.shape_cast %broadcast_in_dim3A_22 : vector<16xf32> to vector<16xf32>
    tpu.vector_store %arg6[%swap3A_23], %swap3A_26 {strides = array<i32>} : memref<128xf32, #tpu.memory_space<vmem>>, vector<16xf32>,
    %broadcast_in_dim3A_27 = arith.constant 1.000000e+00 : f32
    %broadcast_in_dim3A_28 = vector.broadcast %broadcast_in_dim3A_27 : f32 to vector<16xf32>
    %swap3A_29 = arith.constant 64 : index
    %swap3A_30 = tpu.vector_load %arg6[%swap3A_29] {strides = array<i32>} : memref<128xf32, #tpu.memory_space<vmem>>, vector<16xf32>,
    %swap3A_31 = vector.shape_cast %swap3A_30 : vector<16xf32> to vector<16xf32>
    %swap3A_32 = vector.shape_cast %broadcast_in_dim3A_28 : vector<16xf32> to vector<16xf32>
    tpu.vector_store %arg6[%swap3A_29], %swap3A_32 {strides = array<i32>} : memref<128xf32, #tpu.memory_space<vmem>>, vector<16xf32>,
    %broadcast_in_dim3A_33 = arith.constant 1.000000e+00 : f32
    %broadcast_in_dim3A_34 = vector.broadcast %broadcast_in_dim3A_33 : f32 to vector<16xf32>
    %swap3A_35 = arith.constant 80 : index
    %swap3A_36 = tpu.vector_load %arg6[%swap3A_35] {strides = array<i32>} : memref<128xf32, #tpu.memory_space<vmem>>, vector<16xf32>,
    %swap3A_37 = vector.shape_cast %swap3A_36 : vector<16xf32> to vector<16xf32>
    %swap3A_38 = vector.shape_cast %broadcast_in_dim3A_34 : vector<16xf32> to vector<16xf32>
    tpu.vector_store %arg6[%swap3A_35], %swap3A_38 {strides = array<i32>} : memref<128xf32, #tpu.memory_space<vmem>>, vector<16xf32>,
    %broadcast_in_dim3A_39 = arith.constant 1.000000e+00 : f32
    %broadcast_in_dim3A_40 = vector.broadcast %broadcast_in_dim3A_39 : f32 to vector<16xf32>
    %swap3A_41 = arith.constant 96 : index
    %swap3A_42 = tpu.vector_load %arg6[%swap3A_41] {strides = array<i32>} : memref<128xf32, #tpu.memory_space<vmem>>, vector<16xf32>,
    %swap3A_43 = vector.shape_cast %swap3A_42 : vector<16xf32> to vector<16xf32>
    %swap3A_44 = vector.shape_cast %broadcast_in_dim3A_40 : vector<16xf32> to vector<16xf32>
    tpu.vector_store %arg6[%swap3A_41], %swap3A_44 {strides = array<i32>} : memref<128xf32, #tpu.memory_space<vmem>>, vector<16xf32>,
    %broadcast_in_dim3A_45 = arith.constant 1.000000e+00 : f32
    %broadcast_in_dim3A_46 = vector.broadcast %broadcast_in_dim3A_45 : f32 to vector<16xf32>
    %swap3A_47 = arith.constant 112 : index
    %swap3A_48 = tpu.vector_load %arg6[%swap3A_47] {strides = array<i32>} : memref<128xf32, #tpu.memory_space<vmem>>, vector<16xf32>,
    %swap3A_49 = vector.shape_cast %swap3A_48 : vector<16xf32> to vector<16xf32>
    %swap3A_50 = vector.shape_cast %broadcast_in_dim3A_46 : vector<16xf32> to vector<16xf32>
    tpu.vector_store %arg6[%swap3A_47], %swap3A_50 {strides = array<i32>} : memref<128xf32, #tpu.memory_space<vmem>>, vector<16xf32>,
    %barrier3A = arith.constant 0 : index
    tpu.barrier barrier_id(%barrier3A)
    %scan3A = arith.constant 0 : i32
    %scan3A_51 = arith.constant 0 : i32
    %scan3A_52 = arith.constant 80 : i32
    %scan3A_53 = arith.addi %scan3A_51, %scan3A_52 : i32
    %scan3A_54 = arith.constant 1 : i32
    scf.for %scan3A_57 = %scan3A_51 to %scan3A_53 step %scan3A_54  : i32 {
      "tpu.region"() ({
        %run_scoped3A = tpu.sem_alloc : memref<!tpu.dma_semaphore, #tpu.memory_space<semaphore_mem>>
        %dma_start3A = arith.constant 0 : i32
        %dma_start3A_58 = tpu.memref_slice %arg5[%scan3A_57, %dma_start3A] : memref<80x128xi32, #tpu.memory_space<vmem>> -> memref<1x128xi32, #tpu.memory_space<vmem>>
        %dma_start3A_59 = tpu.memref_squeeze %dma_start3A_58 : memref<1x128xi32, #tpu.memory_space<vmem>> -> memref<128xi32, #tpu.memory_space<vmem>>
        %dma_start3A_60 = arith.constant 0 : i32
        %dma_start3A_61 = tpu.memref_slice %arg7[%dma_start3A_60] : memref<10240xf32, #tpu.memory_space<vmem_shared>> -> memref<10240xf32, #tpu.memory_space<vmem_shared>>
        tpu.enqueue_indirect_dma source(%arg6 : memref<128xf32, #tpu.memory_space<vmem>>) target(%dma_start3A_61 : memref<10240xf32, #tpu.memory_space<vmem_shared>>) offsets(%dma_start3A_59 : memref<128xi32, #tpu.memory_space<vmem>>) semaphore(%run_scoped3A : memref<!tpu.dma_semaphore, #tpu.memory_space<semaphore_mem>>) {add = true}
        %dma_wait3A = arith.constant 0 : i32
        %dma_wait3A_62 = tpu.memref_slice %arg5[%scan3A_57, %dma_wait3A] : memref<80x128xi32, #tpu.memory_space<vmem>> -> memref<1x128xi32, #tpu.memory_space<vmem>>
        %dma_wait3A_63 = tpu.memref_squeeze %dma_wait3A_62 : memref<1x128xi32, #tpu.memory_space<vmem>> -> memref<128xi32, #tpu.memory_space<vmem>>
        %dma_wait3A_64 = arith.constant 0 : i32
        %dma_wait3A_65 = tpu.memref_slice %arg7[%dma_wait3A_64] : memref<10240xf32, #tpu.memory_space<vmem_shared>> -> memref<10240xf32, #tpu.memory_space<vmem_shared>>
        tpu.wait_indirect_dma semaphore(%run_scoped3A : memref<!tpu.dma_semaphore, #tpu.memory_space<semaphore_mem>>) src(%arg6 : memref<128xf32, #tpu.memory_space<vmem>>) dst(%dma_wait3A_65 : memref<10240xf32, #tpu.memory_space<vmem_shared>>)
        tpu.yield
      }) : () -> ()
    }
    %scan3A_55 = arith.constant 80 : i32
    %barrier3A_56 = arith.constant 0 : index
    tpu.barrier barrier_id(%barrier3A_56)
    "tpu.region"() ({
      %run_scoped3A = tpu.sem_alloc : memref<!tpu.dma_semaphore, #tpu.memory_space<semaphore_mem>>
      %dma_start3A = tpu.memref_slice %arg4[%arg0, %mul3A_2] : memref<2x10240xf32, #tpu.memory_space<hbm>> -> memref<1x640xf32, #tpu.memory_space<hbm>>
      %dma_start3A_57 = tpu.memref_squeeze %dma_start3A : memref<1x640xf32, #tpu.memory_space<hbm>> -> memref<640xf32, #tpu.memory_space<hbm>>
      %dma_start3A_58 = tpu.memref_slice %arg7[%mul3A_2] : memref<10240xf32, #tpu.memory_space<vmem_shared>> -> memref<640xf32, #tpu.memory_space<vmem_shared>>
      tpu.enqueue_dma source(%dma_start3A_58 : memref<640xf32, #tpu.memory_space<vmem_shared>>) target(%dma_start3A_57 : memref<640xf32, #tpu.memory_space<hbm>>) target_semaphore(%run_scoped3A : memref<!tpu.dma_semaphore, #tpu.memory_space<semaphore_mem>>)
      %dma_wait3A = tpu.memref_slice %arg4[%arg0, %mul3A_2] : memref<2x10240xf32, #tpu.memory_space<hbm>> -> memref<1x640xf32, #tpu.memory_space<hbm>>
      %dma_wait3A_59 = tpu.memref_squeeze %dma_wait3A : memref<1x640xf32, #tpu.memory_space<hbm>> -> memref<640xf32, #tpu.memory_space<hbm>>
      %dma_wait3A_60 = tpu.memref_slice %arg7[%mul3A_2] : memref<10240xf32, #tpu.memory_space<vmem_shared>> -> memref<640xf32, #tpu.memory_space<vmem_shared>>
      tpu.wait_dma2 semaphore(%run_scoped3A : memref<!tpu.dma_semaphore, #tpu.memory_space<semaphore_mem>>) src(%dma_wait3A_60 : memref<640xf32, #tpu.memory_space<vmem_shared>>) dst(%dma_wait3A_59 : memref<640xf32, #tpu.memory_space<hbm>>)
      tpu.yield
    }) : () -> ()
    return
  }
}

#map = affine_map<(d0, d1) -> (0, 0)>
#map1 = affine_map<(d0, d1) -> (0, 0, 0)>
module attributes {stable_mosaic.version = 14 : i64} {
  func.func @agg(%arg0: i32, %arg1: i32, %arg2: memref<10240x128xf32, #tpu.memory_space<hbm>>, %arg3: memref<2560x128xi32, #tpu.memory_space<hbm>>, %arg4: memref<2560x128xi32, #tpu.memory_space<hbm>>, %arg5: memref<10240x128xf32, #tpu.memory_space<hbm>>, %arg6: memref<2x10240x128xf32, #tpu.memory_space<hbm>>, %arg7: memref<8x128xi32, #tpu.memory_space<vmem>>, %arg8: memref<8x128xi32, #tpu.memory_space<vmem>>, %arg9: memref<128x128xf32, #tpu.memory_space<vmem>>, %arg10: memref<128x128xf32, #tpu.memory_space<vmem>>, %arg11: memref<10240x128xf32, #tpu.memory_space<vmem_shared>>, %arg12: memref<!tpu.dma_semaphore, #tpu.memory_space<semaphore_mem>>, %arg13: memref<!tpu.dma_semaphore, #tpu.memory_space<semaphore_mem>>, %arg14: memref<!tpu.dma_semaphore, #tpu.memory_space<semaphore_mem>>, %arg15: memref<!tpu.dma_semaphore, #tpu.memory_space<semaphore_mem>>) attributes {dimension_semantics = [#tpu.dimension_semantics<core_parallel>, #tpu.dimension_semantics<subcore_parallel>], iteration_bounds = array<i64: 2, 16>, scalar_prefetch = 0 : i64, scratch_operands = 9 : i64, tpu.core_type = #tpu.core_type<sc_vector_subcore>, window_params = [{transform_indices = #map}, {transform_indices = #map}, {transform_indices = #map}, {transform_indices = #map}, {transform_indices = #map1}]} {
    %mul3A = arith.constant 640 : i32
    %mul3A_0 = arith.muli %arg1, %mul3A : i32
    "tpu.region"() ({
      %run_scoped3A = tpu.sem_alloc : memref<!tpu.dma_semaphore, #tpu.memory_space<semaphore_mem>>
      %dma_start3A = arith.constant 0 : i32
      %dma_start3A_9 = tpu.memref_slice %arg11[%mul3A_0, %dma_start3A] : memref<10240x128xf32, #tpu.memory_space<vmem_shared>> -> memref<640x128xf32, #tpu.memory_space<vmem_shared>>
      %dma_start3A_10 = arith.constant 0 : i32
      %dma_start3A_11 = tpu.memref_slice %arg5[%mul3A_0, %dma_start3A_10] : memref<10240x128xf32, #tpu.memory_space<hbm>> -> memref<640x128xf32, #tpu.memory_space<hbm>>
      tpu.enqueue_dma source(%dma_start3A_11 : memref<640x128xf32, #tpu.memory_space<hbm>>) target(%dma_start3A_9 : memref<640x128xf32, #tpu.memory_space<vmem_shared>>) target_semaphore(%run_scoped3A : memref<!tpu.dma_semaphore, #tpu.memory_space<semaphore_mem>>)
      %dma_wait3A = arith.constant 0 : i32
      %dma_wait3A_12 = tpu.memref_slice %arg11[%mul3A_0, %dma_wait3A] : memref<10240x128xf32, #tpu.memory_space<vmem_shared>> -> memref<640x128xf32, #tpu.memory_space<vmem_shared>>
      %dma_wait3A_13 = arith.constant 0 : i32
      %dma_wait3A_14 = tpu.memref_slice %arg5[%mul3A_0, %dma_wait3A_13] : memref<10240x128xf32, #tpu.memory_space<hbm>> -> memref<640x128xf32, #tpu.memory_space<hbm>>
      tpu.wait_dma2 semaphore(%run_scoped3A : memref<!tpu.dma_semaphore, #tpu.memory_space<semaphore_mem>>) src(%dma_wait3A_14 : memref<640x128xf32, #tpu.memory_space<hbm>>) dst(%dma_wait3A_12 : memref<640x128xf32, #tpu.memory_space<vmem_shared>>)
      tpu.yield
    }) : () -> ()
    %barrier3A = arith.constant 0 : index
    tpu.barrier barrier_id(%barrier3A)
    %eq3A = arith.constant 0 : i32
    %eq3A_1 = arith.cmpi eq, %arg0, %eq3A : i32
    %convert_element_type3A = arith.extui %eq3A_1 : i1 to i32
    %cond3A = arith.constant 0 : i32
    %cond3A_2 = arith.cmpi ne, %convert_element_type3A, %cond3A : i32
    scf.if %cond3A_2 {
      %mul3A_9 = arith.constant 152 : i32
      %mul3A_10 = arith.muli %arg1, %mul3A_9 : i32
      %scan3A = arith.constant 0 : i32
      %scan3A_11 = arith.constant 0 : i32
      %scan3A_12 = arith.constant 19 : i32
      %scan3A_13 = arith.addi %scan3A_11, %scan3A_12 : i32
      %scan3A_14 = arith.constant 1 : i32
      scf.for %scan3A_16 = %scan3A_11 to %scan3A_13 step %scan3A_14  : i32 {
        %mul3A_17 = arith.constant 8 : i32
        %mul3A_18 = arith.muli %scan3A_16, %mul3A_17 : i32
        %add3A = arith.addi %mul3A_10, %mul3A_18 : i32
        "tpu.region"() ({
          %run_scoped3A = tpu.sem_alloc : memref<!tpu.dma_semaphore, #tpu.memory_space<semaphore_mem>>
          %dma_start3A = arith.constant 0 : i32
          %dma_start3A_25 = tpu.memref_slice %arg3[%add3A, %dma_start3A] : memref<2560x128xi32, #tpu.memory_space<hbm>> -> memref<8x128xi32, #tpu.memory_space<hbm>>
          %dma_start3A_26 = arith.constant 0 : i32
          %dma_start3A_27 = tpu.memref_slice %arg3[%add3A, %dma_start3A_26] : memref<2560x128xi32, #tpu.memory_space<hbm>> -> memref<8x128xi32, #tpu.memory_space<hbm>>
          tpu.enqueue_dma source(%dma_start3A_27 : memref<8x128xi32, #tpu.memory_space<hbm>>) target(%arg7 : memref<8x128xi32, #tpu.memory_space<vmem>>) target_semaphore(%run_scoped3A : memref<!tpu.dma_semaphore, #tpu.memory_space<semaphore_mem>>)
          %dma_wait3A = arith.constant 0 : i32
          %dma_wait3A_28 = tpu.memref_slice %arg3[%add3A, %dma_wait3A] : memref<2560x128xi32, #tpu.memory_space<hbm>> -> memref<8x128xi32, #tpu.memory_space<hbm>>
          %dma_wait3A_29 = arith.constant 0 : i32
          %dma_wait3A_30 = tpu.memref_slice %arg3[%add3A, %dma_wait3A_29] : memref<2560x128xi32, #tpu.memory_space<hbm>> -> memref<8x128xi32, #tpu.memory_space<hbm>>
          tpu.wait_dma2 semaphore(%run_scoped3A : memref<!tpu.dma_semaphore, #tpu.memory_space<semaphore_mem>>) src(%dma_wait3A_30 : memref<8x128xi32, #tpu.memory_space<hbm>>) dst(%arg7 : memref<8x128xi32, #tpu.memory_space<vmem>>)
          tpu.yield
        }) : () -> ()
        "tpu.region"() ({
          %run_scoped3A = tpu.sem_alloc : memref<!tpu.dma_semaphore, #tpu.memory_space<semaphore_mem>>
          %dma_start3A = arith.constant 0 : i32
          %dma_start3A_25 = tpu.memref_slice %arg4[%add3A, %dma_start3A] : memref<2560x128xi32, #tpu.memory_space<hbm>> -> memref<8x128xi32, #tpu.memory_space<hbm>>
          %dma_start3A_26 = arith.constant 0 : i32
          %dma_start3A_27 = tpu.memref_slice %arg4[%add3A, %dma_start3A_26] : memref<2560x128xi32, #tpu.memory_space<hbm>> -> memref<8x128xi32, #tpu.memory_space<hbm>>
          tpu.enqueue_dma source(%dma_start3A_27 : memref<8x128xi32, #tpu.memory_space<hbm>>) target(%arg8 : memref<8x128xi32, #tpu.memory_space<vmem>>) target_semaphore(%run_scoped3A : memref<!tpu.dma_semaphore, #tpu.memory_space<semaphore_mem>>)
          %dma_wait3A = arith.constant 0 : i32
          %dma_wait3A_28 = tpu.memref_slice %arg4[%add3A, %dma_wait3A] : memref<2560x128xi32, #tpu.memory_space<hbm>> -> memref<8x128xi32, #tpu.memory_space<hbm>>
          %dma_wait3A_29 = arith.constant 0 : i32
          %dma_wait3A_30 = tpu.memref_slice %arg4[%add3A, %dma_wait3A_29] : memref<2560x128xi32, #tpu.memory_space<hbm>> -> memref<8x128xi32, #tpu.memory_space<hbm>>
          tpu.wait_dma2 semaphore(%run_scoped3A : memref<!tpu.dma_semaphore, #tpu.memory_space<semaphore_mem>>) src(%dma_wait3A_30 : memref<8x128xi32, #tpu.memory_space<hbm>>) dst(%arg8 : memref<8x128xi32, #tpu.memory_space<vmem>>)
          tpu.yield
        }) : () -> ()
        %scan3A_19 = arith.constant 0 : i32
        %scan3A_20 = arith.constant 0 : i32
        %scan3A_21 = arith.constant 5 : i32
        %scan3A_22 = arith.addi %scan3A_20, %scan3A_21 : i32
        %scan3A_23 = arith.constant 1 : i32
        scf.for %scan3A_25 = %scan3A_20 to %scan3A_22 step %scan3A_23  : i32 {
          %mul3A_26 = arith.constant 2 : i32
          %mul3A_27 = arith.muli %scan3A_25, %mul3A_26 : i32
          %add3A_28 = arith.constant 0 : i32
          %add3A_29 = arith.addi %mul3A_27, %add3A_28 : i32
          %ge3A = arith.constant 2 : i32
          %ge3A_30 = arith.cmpi sge, %add3A_29, %ge3A : i32
          %convert_element_type3A_31 = arith.extui %ge3A_30 : i1 to i32
          %cond3A_32 = arith.constant 0 : i32
          %cond3A_33 = arith.cmpi ne, %convert_element_type3A_31, %cond3A_32 : i32
          scf.if %cond3A_33 {
            %dma_wait3A = arith.constant 0 : i32
            %dma_wait3A_67 = arith.constant 0 : i32
            %dma_wait3A_68 = tpu.memref_slice %arg8[%dma_wait3A, %dma_wait3A_67] : memref<8x128xi32, #tpu.memory_space<vmem>> -> memref<1x128xi32, #tpu.memory_space<vmem>>
            %dma_wait3A_69 = tpu.memref_squeeze %dma_wait3A_68 : memref<1x128xi32, #tpu.memory_space<vmem>> -> memref<128xi32, #tpu.memory_space<vmem>>
            %dma_wait3A_70 = arith.constant 0 : i32
            %dma_wait3A_71 = arith.constant 0 : i32
            %dma_wait3A_72 = tpu.memref_slice %arg11[%dma_wait3A_70, %dma_wait3A_71] : memref<10240x128xf32, #tpu.memory_space<vmem_shared>> -> memref<10240x128xf32, #tpu.memory_space<vmem_shared>>
            tpu.wait_indirect_dma semaphore(%arg14 : memref<!tpu.dma_semaphore, #tpu.memory_space<semaphore_mem>>) src(%arg9 : memref<128x128xf32, #tpu.memory_space<vmem>>) dst(%dma_wait3A_72 : memref<10240x128xf32, #tpu.memory_space<vmem_shared>>)
          } else {
          }
          %lt3A = arith.constant 8 : i32
          %lt3A_34 = arith.cmpi slt, %add3A_29, %lt3A : i32
          %convert_element_type3A_35 = arith.extui %lt3A_34 : i1 to i32
          %cond3A_36 = arith.constant 0 : i32
          %cond3A_37 = arith.cmpi ne, %convert_element_type3A_35, %cond3A_36 : i32
          scf.if %cond3A_37 {
            %dma_start3A = arith.constant 0 : i32
            %dma_start3A_67 = tpu.memref_slice %arg7[%add3A_29, %dma_start3A] : memref<8x128xi32, #tpu.memory_space<vmem>> -> memref<1x128xi32, #tpu.memory_space<vmem>>
            %dma_start3A_68 = tpu.memref_squeeze %dma_start3A_67 : memref<1x128xi32, #tpu.memory_space<vmem>> -> memref<128xi32, #tpu.memory_space<vmem>>
            %dma_start3A_69 = arith.constant 0 : i32
            %dma_start3A_70 = arith.constant 0 : i32
            %dma_start3A_71 = tpu.memref_slice %arg2[%dma_start3A_69, %dma_start3A_70] : memref<10240x128xf32, #tpu.memory_space<hbm>> -> memref<10240x128xf32, #tpu.memory_space<hbm>>
            tpu.enqueue_indirect_dma source(%dma_start3A_71 : memref<10240x128xf32, #tpu.memory_space<hbm>>) target(%arg9 : memref<128x128xf32, #tpu.memory_space<vmem>>) offsets(%dma_start3A_68 : memref<128xi32, #tpu.memory_space<vmem>>) semaphore(%arg12 : memref<!tpu.dma_semaphore, #tpu.memory_space<semaphore_mem>>)
          } else {
          }
          %ge3A_38 = arith.constant 1 : i32
          %ge3A_39 = arith.cmpi sge, %add3A_29, %ge3A_38 : i32
          %lt3A_40 = arith.constant 9 : i32
          %lt3A_41 = arith.cmpi slt, %add3A_29, %lt3A_40 : i32
          %and3A = arith.andi %ge3A_39, %lt3A_41 : i1
          %convert_element_type3A_42 = arith.extui %and3A : i1 to i32
          %cond3A_43 = arith.constant 0 : i32
          %cond3A_44 = arith.cmpi ne, %convert_element_type3A_42, %cond3A_43 : i32
          scf.if %cond3A_44 {
            %dma_wait3A = arith.constant 0 : i32
            %dma_wait3A_67 = arith.constant 0 : i32
            %dma_wait3A_68 = tpu.memref_slice %arg7[%dma_wait3A, %dma_wait3A_67] : memref<8x128xi32, #tpu.memory_space<vmem>> -> memref<1x128xi32, #tpu.memory_space<vmem>>
            %dma_wait3A_69 = tpu.memref_squeeze %dma_wait3A_68 : memref<1x128xi32, #tpu.memory_space<vmem>> -> memref<128xi32, #tpu.memory_space<vmem>>
            %dma_wait3A_70 = arith.constant 0 : i32
            %dma_wait3A_71 = arith.constant 0 : i32
            %dma_wait3A_72 = tpu.memref_slice %arg2[%dma_wait3A_70, %dma_wait3A_71] : memref<10240x128xf32, #tpu.memory_space<hbm>> -> memref<10240x128xf32, #tpu.memory_space<hbm>>
            tpu.wait_indirect_dma semaphore(%arg13 : memref<!tpu.dma_semaphore, #tpu.memory_space<semaphore_mem>>) src(%dma_wait3A_72 : memref<10240x128xf32, #tpu.memory_space<hbm>>) dst(%arg10 : memref<128x128xf32, #tpu.memory_space<vmem>>)
            %sub3A = arith.constant 2 : i32
            %sub3A_73 = arith.subi %add3A_29, %sub3A : i32
            %add3A_74 = arith.constant 1 : i32
            %add3A_75 = arith.addi %sub3A_73, %add3A_74 : i32
            %dma_start3A = arith.constant 0 : i32
            %dma_start3A_76 = tpu.memref_slice %arg8[%add3A_75, %dma_start3A] : memref<8x128xi32, #tpu.memory_space<vmem>> -> memref<1x128xi32, #tpu.memory_space<vmem>>
            %dma_start3A_77 = tpu.memref_squeeze %dma_start3A_76 : memref<1x128xi32, #tpu.memory_space<vmem>> -> memref<128xi32, #tpu.memory_space<vmem>>
            %dma_start3A_78 = arith.constant 0 : i32
            %dma_start3A_79 = arith.constant 0 : i32
            %dma_start3A_80 = tpu.memref_slice %arg11[%dma_start3A_78, %dma_start3A_79] : memref<10240x128xf32, #tpu.memory_space<vmem_shared>> -> memref<10240x128xf32, #tpu.memory_space<vmem_shared>>
            tpu.enqueue_indirect_dma source(%arg10 : memref<128x128xf32, #tpu.memory_space<vmem>>) target(%dma_start3A_80 : memref<10240x128xf32, #tpu.memory_space<vmem_shared>>) offsets(%dma_start3A_77 : memref<128xi32, #tpu.memory_space<vmem>>) semaphore(%arg15 : memref<!tpu.dma_semaphore, #tpu.memory_space<semaphore_mem>>) {add = true}
          } else {
          }
          %mul3A_45 = arith.constant 2 : i32
          %mul3A_46 = arith.muli %scan3A_25, %mul3A_45 : i32
          %add3A_47 = arith.constant 1 : i32
          %add3A_48 = arith.addi %mul3A_46, %add3A_47 : i32
          %ge3A_49 = arith.constant 2 : i32
          %ge3A_50 = arith.cmpi sge, %add3A_48, %ge3A_49 : i32
          %convert_element_type3A_51 = arith.extui %ge3A_50 : i1 to i32
          %cond3A_52 = arith.constant 0 : i32
          %cond3A_53 = arith.cmpi ne, %convert_element_type3A_51, %cond3A_52 : i32
          scf.if %cond3A_53 {
            %dma_wait3A = arith.constant 0 : i32
            %dma_wait3A_67 = arith.constant 0 : i32
            %dma_wait3A_68 = tpu.memref_slice %arg8[%dma_wait3A, %dma_wait3A_67] : memref<8x128xi32, #tpu.memory_space<vmem>> -> memref<1x128xi32, #tpu.memory_space<vmem>>
            %dma_wait3A_69 = tpu.memref_squeeze %dma_wait3A_68 : memref<1x128xi32, #tpu.memory_space<vmem>> -> memref<128xi32, #tpu.memory_space<vmem>>
            %dma_wait3A_70 = arith.constant 0 : i32
            %dma_wait3A_71 = arith.constant 0 : i32
            %dma_wait3A_72 = tpu.memref_slice %arg11[%dma_wait3A_70, %dma_wait3A_71] : memref<10240x128xf32, #tpu.memory_space<vmem_shared>> -> memref<10240x128xf32, #tpu.memory_space<vmem_shared>>
            tpu.wait_indirect_dma semaphore(%arg15 : memref<!tpu.dma_semaphore, #tpu.memory_space<semaphore_mem>>) src(%arg10 : memref<128x128xf32, #tpu.memory_space<vmem>>) dst(%dma_wait3A_72 : memref<10240x128xf32, #tpu.memory_space<vmem_shared>>)
          } else {
          }
          %lt3A_54 = arith.constant 8 : i32
          %lt3A_55 = arith.cmpi slt, %add3A_48, %lt3A_54 : i32
          %convert_element_type3A_56 = arith.extui %lt3A_55 : i1 to i32
          %cond3A_57 = arith.constant 0 : i32
          %cond3A_58 = arith.cmpi ne, %convert_element_type3A_56, %cond3A_57 : i32
          scf.if %cond3A_58 {
            %dma_start3A = arith.constant 0 : i32
            %dma_start3A_67 = tpu.memref_slice %arg7[%add3A_48, %dma_start3A] : memref<8x128xi32, #tpu.memory_space<vmem>> -> memref<1x128xi32, #tpu.memory_space<vmem>>
            %dma_start3A_68 = tpu.memref_squeeze %dma_start3A_67 : memref<1x128xi32, #tpu.memory_space<vmem>> -> memref<128xi32, #tpu.memory_space<vmem>>
            %dma_start3A_69 = arith.constant 0 : i32
            %dma_start3A_70 = arith.constant 0 : i32
            %dma_start3A_71 = tpu.memref_slice %arg2[%dma_start3A_69, %dma_start3A_70] : memref<10240x128xf32, #tpu.memory_space<hbm>> -> memref<10240x128xf32, #tpu.memory_space<hbm>>
            tpu.enqueue_indirect_dma source(%dma_start3A_71 : memref<10240x128xf32, #tpu.memory_space<hbm>>) target(%arg10 : memref<128x128xf32, #tpu.memory_space<vmem>>) offsets(%dma_start3A_68 : memref<128xi32, #tpu.memory_space<vmem>>) semaphore(%arg13 : memref<!tpu.dma_semaphore, #tpu.memory_space<semaphore_mem>>)
          } else {
          }
          %ge3A_59 = arith.constant 1 : i32
          %ge3A_60 = arith.cmpi sge, %add3A_48, %ge3A_59 : i32
          %lt3A_61 = arith.constant 9 : i32
          %lt3A_62 = arith.cmpi slt, %add3A_48, %lt3A_61 : i32
          %and3A_63 = arith.andi %ge3A_60, %lt3A_62 : i1
          %convert_element_type3A_64 = arith.extui %and3A_63 : i1 to i32
          %cond3A_65 = arith.constant 0 : i32
          %cond3A_66 = arith.cmpi ne, %convert_element_type3A_64, %cond3A_65 : i32
          scf.if %cond3A_66 {
            %dma_wait3A = arith.constant 0 : i32
            %dma_wait3A_67 = arith.constant 0 : i32
            %dma_wait3A_68 = tpu.memref_slice %arg7[%dma_wait3A, %dma_wait3A_67] : memref<8x128xi32, #tpu.memory_space<vmem>> -> memref<1x128xi32, #tpu.memory_space<vmem>>
            %dma_wait3A_69 = tpu.memref_squeeze %dma_wait3A_68 : memref<1x128xi32, #tpu.memory_space<vmem>> -> memref<128xi32, #tpu.memory_space<vmem>>
            %dma_wait3A_70 = arith.constant 0 : i32
            %dma_wait3A_71 = arith.constant 0 : i32
            %dma_wait3A_72 = tpu.memref_slice %arg2[%dma_wait3A_70, %dma_wait3A_71] : memref<10240x128xf32, #tpu.memory_space<hbm>> -> memref<10240x128xf32, #tpu.memory_space<hbm>>
            tpu.wait_indirect_dma semaphore(%arg12 : memref<!tpu.dma_semaphore, #tpu.memory_space<semaphore_mem>>) src(%dma_wait3A_72 : memref<10240x128xf32, #tpu.memory_space<hbm>>) dst(%arg9 : memref<128x128xf32, #tpu.memory_space<vmem>>)
            %sub3A = arith.constant 2 : i32
            %sub3A_73 = arith.subi %add3A_48, %sub3A : i32
            %add3A_74 = arith.constant 1 : i32
            %add3A_75 = arith.addi %sub3A_73, %add3A_74 : i32
            %dma_start3A = arith.constant 0 : i32
            %dma_start3A_76 = tpu.memref_slice %arg8[%add3A_75, %dma_start3A] : memref<8x128xi32, #tpu.memory_space<vmem>> -> memref<1x128xi32, #tpu.memory_space<vmem>>
            %dma_start3A_77 = tpu.memref_squeeze %dma_start3A_76 : memref<1x128xi32, #tpu.memory_space<vmem>> -> memref<128xi32, #tpu.memory_space<vmem>>
            %dma_start3A_78 = arith.constant 0 : i32
            %dma_start3A_79 = arith.constant 0 : i32
            %dma_start3A_80 = tpu.memref_slice %arg11[%dma_start3A_78, %dma_start3A_79] : memref<10240x128xf32, #tpu.memory_space<vmem_shared>> -> memref<10240x128xf32, #tpu.memory_space<vmem_shared>>
            tpu.enqueue_indirect_dma source(%arg9 : memref<128x128xf32, #tpu.memory_space<vmem>>) target(%dma_start3A_80 : memref<10240x128xf32, #tpu.memory_space<vmem_shared>>) offsets(%dma_start3A_77 : memref<128xi32, #tpu.memory_space<vmem>>) semaphore(%arg14 : memref<!tpu.dma_semaphore, #tpu.memory_space<semaphore_mem>>) {add = true}
          } else {
          }
        }
        %scan3A_24 = arith.constant 5 : i32
      }
      %scan3A_15 = arith.constant 19 : i32
    } else {
    }
    %eq3A_3 = arith.constant 1 : i32
    %eq3A_4 = arith.cmpi eq, %arg0, %eq3A_3 : i32
    %convert_element_type3A_5 = arith.extui %eq3A_4 : i1 to i32
    %cond3A_6 = arith.constant 0 : i32
    %cond3A_7 = arith.cmpi ne, %convert_element_type3A_5, %cond3A_6 : i32
    scf.if %cond3A_7 {
      %mul3A_9 = arith.constant 8 : i32
      %mul3A_10 = arith.muli %arg1, %mul3A_9 : i32
      %add3A = arith.constant 2432 : i32
      %add3A_11 = arith.addi %add3A, %mul3A_10 : i32
      %scan3A = arith.constant 0 : i32
      %scan3A_12 = arith.constant 0 : i32
      %mul3A_13 = arith.constant 8 : i32
      %mul3A_14 = arith.muli %scan3A_12, %mul3A_13 : i32
      %add3A_15 = arith.addi %add3A_11, %mul3A_14 : i32
      "tpu.region"() ({
        %run_scoped3A = tpu.sem_alloc : memref<!tpu.dma_semaphore, #tpu.memory_space<semaphore_mem>>
        %dma_start3A = arith.constant 0 : i32
        %dma_start3A_23 = tpu.memref_slice %arg3[%add3A_15, %dma_start3A] : memref<2560x128xi32, #tpu.memory_space<hbm>> -> memref<8x128xi32, #tpu.memory_space<hbm>>
        %dma_start3A_24 = arith.constant 0 : i32
        %dma_start3A_25 = tpu.memref_slice %arg3[%add3A_15, %dma_start3A_24] : memref<2560x128xi32, #tpu.memory_space<hbm>> -> memref<8x128xi32, #tpu.memory_space<hbm>>
        tpu.enqueue_dma source(%dma_start3A_25 : memref<8x128xi32, #tpu.memory_space<hbm>>) target(%arg7 : memref<8x128xi32, #tpu.memory_space<vmem>>) target_semaphore(%run_scoped3A : memref<!tpu.dma_semaphore, #tpu.memory_space<semaphore_mem>>)
        %dma_wait3A = arith.constant 0 : i32
        %dma_wait3A_26 = tpu.memref_slice %arg3[%add3A_15, %dma_wait3A] : memref<2560x128xi32, #tpu.memory_space<hbm>> -> memref<8x128xi32, #tpu.memory_space<hbm>>
        %dma_wait3A_27 = arith.constant 0 : i32
        %dma_wait3A_28 = tpu.memref_slice %arg3[%add3A_15, %dma_wait3A_27] : memref<2560x128xi32, #tpu.memory_space<hbm>> -> memref<8x128xi32, #tpu.memory_space<hbm>>
        tpu.wait_dma2 semaphore(%run_scoped3A : memref<!tpu.dma_semaphore, #tpu.memory_space<semaphore_mem>>) src(%dma_wait3A_28 : memref<8x128xi32, #tpu.memory_space<hbm>>) dst(%arg7 : memref<8x128xi32, #tpu.memory_space<vmem>>)
        tpu.yield
      }) : () -> ()
      "tpu.region"() ({
        %run_scoped3A = tpu.sem_alloc : memref<!tpu.dma_semaphore, #tpu.memory_space<semaphore_mem>>
        %dma_start3A = arith.constant 0 : i32
        %dma_start3A_23 = tpu.memref_slice %arg4[%add3A_15, %dma_start3A] : memref<2560x128xi32, #tpu.memory_space<hbm>> -> memref<8x128xi32, #tpu.memory_space<hbm>>
        %dma_start3A_24 = arith.constant 0 : i32
        %dma_start3A_25 = tpu.memref_slice %arg4[%add3A_15, %dma_start3A_24] : memref<2560x128xi32, #tpu.memory_space<hbm>> -> memref<8x128xi32, #tpu.memory_space<hbm>>
        tpu.enqueue_dma source(%dma_start3A_25 : memref<8x128xi32, #tpu.memory_space<hbm>>) target(%arg8 : memref<8x128xi32, #tpu.memory_space<vmem>>) target_semaphore(%run_scoped3A : memref<!tpu.dma_semaphore, #tpu.memory_space<semaphore_mem>>)
        %dma_wait3A = arith.constant 0 : i32
        %dma_wait3A_26 = tpu.memref_slice %arg4[%add3A_15, %dma_wait3A] : memref<2560x128xi32, #tpu.memory_space<hbm>> -> memref<8x128xi32, #tpu.memory_space<hbm>>
        %dma_wait3A_27 = arith.constant 0 : i32
        %dma_wait3A_28 = tpu.memref_slice %arg4[%add3A_15, %dma_wait3A_27] : memref<2560x128xi32, #tpu.memory_space<hbm>> -> memref<8x128xi32, #tpu.memory_space<hbm>>
        tpu.wait_dma2 semaphore(%run_scoped3A : memref<!tpu.dma_semaphore, #tpu.memory_space<semaphore_mem>>) src(%dma_wait3A_28 : memref<8x128xi32, #tpu.memory_space<hbm>>) dst(%arg8 : memref<8x128xi32, #tpu.memory_space<vmem>>)
        tpu.yield
      }) : () -> ()
      %scan3A_16 = arith.constant 0 : i32
      %scan3A_17 = arith.constant 0 : i32
      %scan3A_18 = arith.constant 5 : i32
      %scan3A_19 = arith.addi %scan3A_17, %scan3A_18 : i32
      %scan3A_20 = arith.constant 1 : i32
      scf.for %scan3A_23 = %scan3A_17 to %scan3A_19 step %scan3A_20  : i32 {
        %mul3A_24 = arith.constant 2 : i32
        %mul3A_25 = arith.muli %scan3A_23, %mul3A_24 : i32
        %add3A_26 = arith.constant 0 : i32
        %add3A_27 = arith.addi %mul3A_25, %add3A_26 : i32
        %ge3A = arith.constant 2 : i32
        %ge3A_28 = arith.cmpi sge, %add3A_27, %ge3A : i32
        %convert_element_type3A_29 = arith.extui %ge3A_28 : i1 to i32
        %cond3A_30 = arith.constant 0 : i32
        %cond3A_31 = arith.cmpi ne, %convert_element_type3A_29, %cond3A_30 : i32
        scf.if %cond3A_31 {
          %dma_wait3A = arith.constant 0 : i32
          %dma_wait3A_65 = arith.constant 0 : i32
          %dma_wait3A_66 = tpu.memref_slice %arg8[%dma_wait3A, %dma_wait3A_65] : memref<8x128xi32, #tpu.memory_space<vmem>> -> memref<1x128xi32, #tpu.memory_space<vmem>>
          %dma_wait3A_67 = tpu.memref_squeeze %dma_wait3A_66 : memref<1x128xi32, #tpu.memory_space<vmem>> -> memref<128xi32, #tpu.memory_space<vmem>>
          %dma_wait3A_68 = arith.constant 0 : i32
          %dma_wait3A_69 = arith.constant 0 : i32
          %dma_wait3A_70 = tpu.memref_slice %arg11[%dma_wait3A_68, %dma_wait3A_69] : memref<10240x128xf32, #tpu.memory_space<vmem_shared>> -> memref<10240x128xf32, #tpu.memory_space<vmem_shared>>
          tpu.wait_indirect_dma semaphore(%arg14 : memref<!tpu.dma_semaphore, #tpu.memory_space<semaphore_mem>>) src(%arg9 : memref<128x128xf32, #tpu.memory_space<vmem>>) dst(%dma_wait3A_70 : memref<10240x128xf32, #tpu.memory_space<vmem_shared>>)
        } else {
        }
        %lt3A = arith.constant 8 : i32
        %lt3A_32 = arith.cmpi slt, %add3A_27, %lt3A : i32
        %convert_element_type3A_33 = arith.extui %lt3A_32 : i1 to i32
        %cond3A_34 = arith.constant 0 : i32
        %cond3A_35 = arith.cmpi ne, %convert_element_type3A_33, %cond3A_34 : i32
        scf.if %cond3A_35 {
          %dma_start3A = arith.constant 0 : i32
          %dma_start3A_65 = tpu.memref_slice %arg7[%add3A_27, %dma_start3A] : memref<8x128xi32, #tpu.memory_space<vmem>> -> memref<1x128xi32, #tpu.memory_space<vmem>>
          %dma_start3A_66 = tpu.memref_squeeze %dma_start3A_65 : memref<1x128xi32, #tpu.memory_space<vmem>> -> memref<128xi32, #tpu.memory_space<vmem>>
          %dma_start3A_67 = arith.constant 0 : i32
          %dma_start3A_68 = arith.constant 0 : i32
          %dma_start3A_69 = tpu.memref_slice %arg2[%dma_start3A_67, %dma_start3A_68] : memref<10240x128xf32, #tpu.memory_space<hbm>> -> memref<10240x128xf32, #tpu.memory_space<hbm>>
          tpu.enqueue_indirect_dma source(%dma_start3A_69 : memref<10240x128xf32, #tpu.memory_space<hbm>>) target(%arg9 : memref<128x128xf32, #tpu.memory_space<vmem>>) offsets(%dma_start3A_66 : memref<128xi32, #tpu.memory_space<vmem>>) semaphore(%arg12 : memref<!tpu.dma_semaphore, #tpu.memory_space<semaphore_mem>>)
        } else {
        }
        %ge3A_36 = arith.constant 1 : i32
        %ge3A_37 = arith.cmpi sge, %add3A_27, %ge3A_36 : i32
        %lt3A_38 = arith.constant 9 : i32
        %lt3A_39 = arith.cmpi slt, %add3A_27, %lt3A_38 : i32
        %and3A = arith.andi %ge3A_37, %lt3A_39 : i1
        %convert_element_type3A_40 = arith.extui %and3A : i1 to i32
        %cond3A_41 = arith.constant 0 : i32
        %cond3A_42 = arith.cmpi ne, %convert_element_type3A_40, %cond3A_41 : i32
        scf.if %cond3A_42 {
          %dma_wait3A = arith.constant 0 : i32
          %dma_wait3A_65 = arith.constant 0 : i32
          %dma_wait3A_66 = tpu.memref_slice %arg7[%dma_wait3A, %dma_wait3A_65] : memref<8x128xi32, #tpu.memory_space<vmem>> -> memref<1x128xi32, #tpu.memory_space<vmem>>
          %dma_wait3A_67 = tpu.memref_squeeze %dma_wait3A_66 : memref<1x128xi32, #tpu.memory_space<vmem>> -> memref<128xi32, #tpu.memory_space<vmem>>
          %dma_wait3A_68 = arith.constant 0 : i32
          %dma_wait3A_69 = arith.constant 0 : i32
          %dma_wait3A_70 = tpu.memref_slice %arg2[%dma_wait3A_68, %dma_wait3A_69] : memref<10240x128xf32, #tpu.memory_space<hbm>> -> memref<10240x128xf32, #tpu.memory_space<hbm>>
          tpu.wait_indirect_dma semaphore(%arg13 : memref<!tpu.dma_semaphore, #tpu.memory_space<semaphore_mem>>) src(%dma_wait3A_70 : memref<10240x128xf32, #tpu.memory_space<hbm>>) dst(%arg10 : memref<128x128xf32, #tpu.memory_space<vmem>>)
          %sub3A = arith.constant 2 : i32
          %sub3A_71 = arith.subi %add3A_27, %sub3A : i32
          %add3A_72 = arith.constant 1 : i32
          %add3A_73 = arith.addi %sub3A_71, %add3A_72 : i32
          %dma_start3A = arith.constant 0 : i32
          %dma_start3A_74 = tpu.memref_slice %arg8[%add3A_73, %dma_start3A] : memref<8x128xi32, #tpu.memory_space<vmem>> -> memref<1x128xi32, #tpu.memory_space<vmem>>
          %dma_start3A_75 = tpu.memref_squeeze %dma_start3A_74 : memref<1x128xi32, #tpu.memory_space<vmem>> -> memref<128xi32, #tpu.memory_space<vmem>>
          %dma_start3A_76 = arith.constant 0 : i32
          %dma_start3A_77 = arith.constant 0 : i32
          %dma_start3A_78 = tpu.memref_slice %arg11[%dma_start3A_76, %dma_start3A_77] : memref<10240x128xf32, #tpu.memory_space<vmem_shared>> -> memref<10240x128xf32, #tpu.memory_space<vmem_shared>>
          tpu.enqueue_indirect_dma source(%arg10 : memref<128x128xf32, #tpu.memory_space<vmem>>) target(%dma_start3A_78 : memref<10240x128xf32, #tpu.memory_space<vmem_shared>>) offsets(%dma_start3A_75 : memref<128xi32, #tpu.memory_space<vmem>>) semaphore(%arg15 : memref<!tpu.dma_semaphore, #tpu.memory_space<semaphore_mem>>) {add = true}
        } else {
        }
        %mul3A_43 = arith.constant 2 : i32
        %mul3A_44 = arith.muli %scan3A_23, %mul3A_43 : i32
        %add3A_45 = arith.constant 1 : i32
        %add3A_46 = arith.addi %mul3A_44, %add3A_45 : i32
        %ge3A_47 = arith.constant 2 : i32
        %ge3A_48 = arith.cmpi sge, %add3A_46, %ge3A_47 : i32
        %convert_element_type3A_49 = arith.extui %ge3A_48 : i1 to i32
        %cond3A_50 = arith.constant 0 : i32
        %cond3A_51 = arith.cmpi ne, %convert_element_type3A_49, %cond3A_50 : i32
        scf.if %cond3A_51 {
          %dma_wait3A = arith.constant 0 : i32
          %dma_wait3A_65 = arith.constant 0 : i32
          %dma_wait3A_66 = tpu.memref_slice %arg8[%dma_wait3A, %dma_wait3A_65] : memref<8x128xi32, #tpu.memory_space<vmem>> -> memref<1x128xi32, #tpu.memory_space<vmem>>
          %dma_wait3A_67 = tpu.memref_squeeze %dma_wait3A_66 : memref<1x128xi32, #tpu.memory_space<vmem>> -> memref<128xi32, #tpu.memory_space<vmem>>
          %dma_wait3A_68 = arith.constant 0 : i32
          %dma_wait3A_69 = arith.constant 0 : i32
          %dma_wait3A_70 = tpu.memref_slice %arg11[%dma_wait3A_68, %dma_wait3A_69] : memref<10240x128xf32, #tpu.memory_space<vmem_shared>> -> memref<10240x128xf32, #tpu.memory_space<vmem_shared>>
          tpu.wait_indirect_dma semaphore(%arg15 : memref<!tpu.dma_semaphore, #tpu.memory_space<semaphore_mem>>) src(%arg10 : memref<128x128xf32, #tpu.memory_space<vmem>>) dst(%dma_wait3A_70 : memref<10240x128xf32, #tpu.memory_space<vmem_shared>>)
        } else {
        }
        %lt3A_52 = arith.constant 8 : i32
        %lt3A_53 = arith.cmpi slt, %add3A_46, %lt3A_52 : i32
        %convert_element_type3A_54 = arith.extui %lt3A_53 : i1 to i32
        %cond3A_55 = arith.constant 0 : i32
        %cond3A_56 = arith.cmpi ne, %convert_element_type3A_54, %cond3A_55 : i32
        scf.if %cond3A_56 {
          %dma_start3A = arith.constant 0 : i32
          %dma_start3A_65 = tpu.memref_slice %arg7[%add3A_46, %dma_start3A] : memref<8x128xi32, #tpu.memory_space<vmem>> -> memref<1x128xi32, #tpu.memory_space<vmem>>
          %dma_start3A_66 = tpu.memref_squeeze %dma_start3A_65 : memref<1x128xi32, #tpu.memory_space<vmem>> -> memref<128xi32, #tpu.memory_space<vmem>>
          %dma_start3A_67 = arith.constant 0 : i32
          %dma_start3A_68 = arith.constant 0 : i32
          %dma_start3A_69 = tpu.memref_slice %arg2[%dma_start3A_67, %dma_start3A_68] : memref<10240x128xf32, #tpu.memory_space<hbm>> -> memref<10240x128xf32, #tpu.memory_space<hbm>>
          tpu.enqueue_indirect_dma source(%dma_start3A_69 : memref<10240x128xf32, #tpu.memory_space<hbm>>) target(%arg10 : memref<128x128xf32, #tpu.memory_space<vmem>>) offsets(%dma_start3A_66 : memref<128xi32, #tpu.memory_space<vmem>>) semaphore(%arg13 : memref<!tpu.dma_semaphore, #tpu.memory_space<semaphore_mem>>)
        } else {
        }
        %ge3A_57 = arith.constant 1 : i32
        %ge3A_58 = arith.cmpi sge, %add3A_46, %ge3A_57 : i32
        %lt3A_59 = arith.constant 9 : i32
        %lt3A_60 = arith.cmpi slt, %add3A_46, %lt3A_59 : i32
        %and3A_61 = arith.andi %ge3A_58, %lt3A_60 : i1
        %convert_element_type3A_62 = arith.extui %and3A_61 : i1 to i32
        %cond3A_63 = arith.constant 0 : i32
        %cond3A_64 = arith.cmpi ne, %convert_element_type3A_62, %cond3A_63 : i32
        scf.if %cond3A_64 {
          %dma_wait3A = arith.constant 0 : i32
          %dma_wait3A_65 = arith.constant 0 : i32
          %dma_wait3A_66 = tpu.memref_slice %arg7[%dma_wait3A, %dma_wait3A_65] : memref<8x128xi32, #tpu.memory_space<vmem>> -> memref<1x128xi32, #tpu.memory_space<vmem>>
          %dma_wait3A_67 = tpu.memref_squeeze %dma_wait3A_66 : memref<1x128xi32, #tpu.memory_space<vmem>> -> memref<128xi32, #tpu.memory_space<vmem>>
          %dma_wait3A_68 = arith.constant 0 : i32
          %dma_wait3A_69 = arith.constant 0 : i32
          %dma_wait3A_70 = tpu.memref_slice %arg2[%dma_wait3A_68, %dma_wait3A_69] : memref<10240x128xf32, #tpu.memory_space<hbm>> -> memref<10240x128xf32, #tpu.memory_space<hbm>>
          tpu.wait_indirect_dma semaphore(%arg12 : memref<!tpu.dma_semaphore, #tpu.memory_space<semaphore_mem>>) src(%dma_wait3A_70 : memref<10240x128xf32, #tpu.memory_space<hbm>>) dst(%arg9 : memref<128x128xf32, #tpu.memory_space<vmem>>)
          %sub3A = arith.constant 2 : i32
          %sub3A_71 = arith.subi %add3A_46, %sub3A : i32
          %add3A_72 = arith.constant 1 : i32
          %add3A_73 = arith.addi %sub3A_71, %add3A_72 : i32
          %dma_start3A = arith.constant 0 : i32
          %dma_start3A_74 = tpu.memref_slice %arg8[%add3A_73, %dma_start3A] : memref<8x128xi32, #tpu.memory_space<vmem>> -> memref<1x128xi32, #tpu.memory_space<vmem>>
          %dma_start3A_75 = tpu.memref_squeeze %dma_start3A_74 : memref<1x128xi32, #tpu.memory_space<vmem>> -> memref<128xi32, #tpu.memory_space<vmem>>
          %dma_start3A_76 = arith.constant 0 : i32
          %dma_start3A_77 = arith.constant 0 : i32
          %dma_start3A_78 = tpu.memref_slice %arg11[%dma_start3A_76, %dma_start3A_77] : memref<10240x128xf32, #tpu.memory_space<vmem_shared>> -> memref<10240x128xf32, #tpu.memory_space<vmem_shared>>
          tpu.enqueue_indirect_dma source(%arg9 : memref<128x128xf32, #tpu.memory_space<vmem>>) target(%dma_start3A_78 : memref<10240x128xf32, #tpu.memory_space<vmem_shared>>) offsets(%dma_start3A_75 : memref<128xi32, #tpu.memory_space<vmem>>) semaphore(%arg14 : memref<!tpu.dma_semaphore, #tpu.memory_space<semaphore_mem>>) {add = true}
        } else {
        }
      }
      %scan3A_21 = arith.constant 5 : i32
      %scan3A_22 = arith.constant 1 : i32
    } else {
    }
    %barrier3A_8 = arith.constant 0 : index
    tpu.barrier barrier_id(%barrier3A_8)
    "tpu.region"() ({
      %run_scoped3A = tpu.sem_alloc : memref<!tpu.dma_semaphore, #tpu.memory_space<semaphore_mem>>
      %dma_start3A = arith.constant 0 : i32
      %dma_start3A_9 = tpu.memref_slice %arg6[%arg0, %mul3A_0, %dma_start3A] : memref<2x10240x128xf32, #tpu.memory_space<hbm>> -> memref<1x640x128xf32, #tpu.memory_space<hbm>>
      %dma_start3A_10 = tpu.memref_squeeze %dma_start3A_9 : memref<1x640x128xf32, #tpu.memory_space<hbm>> -> memref<640x128xf32, #tpu.memory_space<hbm>>
      %dma_start3A_11 = arith.constant 0 : i32
      %dma_start3A_12 = tpu.memref_slice %arg11[%mul3A_0, %dma_start3A_11] : memref<10240x128xf32, #tpu.memory_space<vmem_shared>> -> memref<640x128xf32, #tpu.memory_space<vmem_shared>>
      tpu.enqueue_dma source(%dma_start3A_12 : memref<640x128xf32, #tpu.memory_space<vmem_shared>>) target(%dma_start3A_10 : memref<640x128xf32, #tpu.memory_space<hbm>>) target_semaphore(%run_scoped3A : memref<!tpu.dma_semaphore, #tpu.memory_space<semaphore_mem>>)
      %dma_wait3A = arith.constant 0 : i32
      %dma_wait3A_13 = tpu.memref_slice %arg6[%arg0, %mul3A_0, %dma_wait3A] : memref<2x10240x128xf32, #tpu.memory_space<hbm>> -> memref<1x640x128xf32, #tpu.memory_space<hbm>>
      %dma_wait3A_14 = tpu.memref_squeeze %dma_wait3A_13 : memref<1x640x128xf32, #tpu.memory_space<hbm>> -> memref<640x128xf32, #tpu.memory_space<hbm>>
      %dma_wait3A_15 = arith.constant 0 : i32
      %dma_wait3A_16 = tpu.memref_slice %arg11[%mul3A_0, %dma_wait3A_15] : memref<10240x128xf32, #tpu.memory_space<vmem_shared>> -> memref<640x128xf32, #tpu.memory_space<vmem_shared>>
      tpu.wait_dma2 semaphore(%run_scoped3A : memref<!tpu.dma_semaphore, #tpu.memory_space<semaphore_mem>>) src(%dma_wait3A_16 : memref<640x128xf32, #tpu.memory_space<vmem_shared>>) dst(%dma_wait3A_14 : memref<640x128xf32, #tpu.memory_space<hbm>>)
      tpu.yield
    }) : () -> ()
    return
  }
}

#map = affine_map<(d0, d1) -> (0, 0)>
#map1 = affine_map<(d0, d1) -> (0, 0, 0)>
module attributes {stable_mosaic.version = 14 : i64} {
  func.func @agg(%arg0: i32, %arg1: i32, %arg2: memref<10240x128xf32, #tpu.memory_space<hbm>>, %arg3: memref<2560x128xi32, #tpu.memory_space<hbm>>, %arg4: memref<2560x128xi32, #tpu.memory_space<hbm>>, %arg5: memref<10240x128xf32, #tpu.memory_space<hbm>>, %arg6: memref<2x10240x128xf32, #tpu.memory_space<hbm>>, %arg7: memref<8x128xi32, #tpu.memory_space<vmem>>, %arg8: memref<8x128xi32, #tpu.memory_space<vmem>>, %arg9: memref<128x128xf32, #tpu.memory_space<vmem>>, %arg10: memref<128x128xf32, #tpu.memory_space<vmem>>, %arg11: memref<10240x128xf32, #tpu.memory_space<vmem_shared>>, %arg12: memref<!tpu.dma_semaphore, #tpu.memory_space<semaphore_mem>>, %arg13: memref<!tpu.dma_semaphore, #tpu.memory_space<semaphore_mem>>, %arg14: memref<!tpu.dma_semaphore, #tpu.memory_space<semaphore_mem>>, %arg15: memref<!tpu.dma_semaphore, #tpu.memory_space<semaphore_mem>>) attributes {dimension_semantics = [#tpu.dimension_semantics<core_parallel>, #tpu.dimension_semantics<subcore_parallel>], iteration_bounds = array<i64: 2, 16>, scalar_prefetch = 0 : i64, scratch_operands = 9 : i64, tpu.core_type = #tpu.core_type<sc_vector_subcore>, window_params = [{transform_indices = #map}, {transform_indices = #map}, {transform_indices = #map}, {transform_indices = #map}, {transform_indices = #map1}]} {
    %mul3A = arith.constant 640 : i32
    %mul3A_0 = arith.muli %arg1, %mul3A : i32
    "tpu.region"() ({
      %run_scoped3A = tpu.sem_alloc : memref<!tpu.dma_semaphore, #tpu.memory_space<semaphore_mem>>
      %dma_start3A = arith.constant 0 : i32
      %dma_start3A_9 = tpu.memref_slice %arg11[%mul3A_0, %dma_start3A] : memref<10240x128xf32, #tpu.memory_space<vmem_shared>> -> memref<640x128xf32, #tpu.memory_space<vmem_shared>>
      %dma_start3A_10 = arith.constant 0 : i32
      %dma_start3A_11 = tpu.memref_slice %arg5[%mul3A_0, %dma_start3A_10] : memref<10240x128xf32, #tpu.memory_space<hbm>> -> memref<640x128xf32, #tpu.memory_space<hbm>>
      tpu.enqueue_dma source(%dma_start3A_11 : memref<640x128xf32, #tpu.memory_space<hbm>>) target(%dma_start3A_9 : memref<640x128xf32, #tpu.memory_space<vmem_shared>>) target_semaphore(%run_scoped3A : memref<!tpu.dma_semaphore, #tpu.memory_space<semaphore_mem>>)
      %dma_wait3A = arith.constant 0 : i32
      %dma_wait3A_12 = tpu.memref_slice %arg11[%mul3A_0, %dma_wait3A] : memref<10240x128xf32, #tpu.memory_space<vmem_shared>> -> memref<640x128xf32, #tpu.memory_space<vmem_shared>>
      %dma_wait3A_13 = arith.constant 0 : i32
      %dma_wait3A_14 = tpu.memref_slice %arg5[%mul3A_0, %dma_wait3A_13] : memref<10240x128xf32, #tpu.memory_space<hbm>> -> memref<640x128xf32, #tpu.memory_space<hbm>>
      tpu.wait_dma2 semaphore(%run_scoped3A : memref<!tpu.dma_semaphore, #tpu.memory_space<semaphore_mem>>) src(%dma_wait3A_14 : memref<640x128xf32, #tpu.memory_space<hbm>>) dst(%dma_wait3A_12 : memref<640x128xf32, #tpu.memory_space<vmem_shared>>)
      tpu.yield
    }) : () -> ()
    %barrier3A = arith.constant 0 : index
    tpu.barrier barrier_id(%barrier3A)
    %eq3A = arith.constant 0 : i32
    %eq3A_1 = arith.cmpi eq, %arg0, %eq3A : i32
    %convert_element_type3A = arith.extui %eq3A_1 : i1 to i32
    %cond3A = arith.constant 0 : i32
    %cond3A_2 = arith.cmpi ne, %convert_element_type3A, %cond3A : i32
    scf.if %cond3A_2 {
      %mul3A_9 = arith.constant 152 : i32
      %mul3A_10 = arith.muli %arg1, %mul3A_9 : i32
      %scan3A = arith.constant 0 : i32
      %scan3A_11 = arith.constant 0 : i32
      %scan3A_12 = arith.constant 19 : i32
      %scan3A_13 = arith.addi %scan3A_11, %scan3A_12 : i32
      %scan3A_14 = arith.constant 1 : i32
      scf.for %scan3A_16 = %scan3A_11 to %scan3A_13 step %scan3A_14  : i32 {
        %mul3A_17 = arith.constant 8 : i32
        %mul3A_18 = arith.muli %scan3A_16, %mul3A_17 : i32
        %add3A = arith.addi %mul3A_10, %mul3A_18 : i32
        "tpu.region"() ({
          %run_scoped3A = tpu.sem_alloc : memref<!tpu.dma_semaphore, #tpu.memory_space<semaphore_mem>>
          %dma_start3A = arith.constant 0 : i32
          %dma_start3A_25 = tpu.memref_slice %arg3[%add3A, %dma_start3A] : memref<2560x128xi32, #tpu.memory_space<hbm>> -> memref<8x128xi32, #tpu.memory_space<hbm>>
          %dma_start3A_26 = arith.constant 0 : i32
          %dma_start3A_27 = tpu.memref_slice %arg3[%add3A, %dma_start3A_26] : memref<2560x128xi32, #tpu.memory_space<hbm>> -> memref<8x128xi32, #tpu.memory_space<hbm>>
          tpu.enqueue_dma source(%dma_start3A_27 : memref<8x128xi32, #tpu.memory_space<hbm>>) target(%arg7 : memref<8x128xi32, #tpu.memory_space<vmem>>) target_semaphore(%run_scoped3A : memref<!tpu.dma_semaphore, #tpu.memory_space<semaphore_mem>>)
          %dma_wait3A = arith.constant 0 : i32
          %dma_wait3A_28 = tpu.memref_slice %arg3[%add3A, %dma_wait3A] : memref<2560x128xi32, #tpu.memory_space<hbm>> -> memref<8x128xi32, #tpu.memory_space<hbm>>
          %dma_wait3A_29 = arith.constant 0 : i32
          %dma_wait3A_30 = tpu.memref_slice %arg3[%add3A, %dma_wait3A_29] : memref<2560x128xi32, #tpu.memory_space<hbm>> -> memref<8x128xi32, #tpu.memory_space<hbm>>
          tpu.wait_dma2 semaphore(%run_scoped3A : memref<!tpu.dma_semaphore, #tpu.memory_space<semaphore_mem>>) src(%dma_wait3A_30 : memref<8x128xi32, #tpu.memory_space<hbm>>) dst(%arg7 : memref<8x128xi32, #tpu.memory_space<vmem>>)
          tpu.yield
        }) : () -> ()
        "tpu.region"() ({
          %run_scoped3A = tpu.sem_alloc : memref<!tpu.dma_semaphore, #tpu.memory_space<semaphore_mem>>
          %dma_start3A = arith.constant 0 : i32
          %dma_start3A_25 = tpu.memref_slice %arg4[%add3A, %dma_start3A] : memref<2560x128xi32, #tpu.memory_space<hbm>> -> memref<8x128xi32, #tpu.memory_space<hbm>>
          %dma_start3A_26 = arith.constant 0 : i32
          %dma_start3A_27 = tpu.memref_slice %arg4[%add3A, %dma_start3A_26] : memref<2560x128xi32, #tpu.memory_space<hbm>> -> memref<8x128xi32, #tpu.memory_space<hbm>>
          tpu.enqueue_dma source(%dma_start3A_27 : memref<8x128xi32, #tpu.memory_space<hbm>>) target(%arg8 : memref<8x128xi32, #tpu.memory_space<vmem>>) target_semaphore(%run_scoped3A : memref<!tpu.dma_semaphore, #tpu.memory_space<semaphore_mem>>)
          %dma_wait3A = arith.constant 0 : i32
          %dma_wait3A_28 = tpu.memref_slice %arg4[%add3A, %dma_wait3A] : memref<2560x128xi32, #tpu.memory_space<hbm>> -> memref<8x128xi32, #tpu.memory_space<hbm>>
          %dma_wait3A_29 = arith.constant 0 : i32
          %dma_wait3A_30 = tpu.memref_slice %arg4[%add3A, %dma_wait3A_29] : memref<2560x128xi32, #tpu.memory_space<hbm>> -> memref<8x128xi32, #tpu.memory_space<hbm>>
          tpu.wait_dma2 semaphore(%run_scoped3A : memref<!tpu.dma_semaphore, #tpu.memory_space<semaphore_mem>>) src(%dma_wait3A_30 : memref<8x128xi32, #tpu.memory_space<hbm>>) dst(%arg8 : memref<8x128xi32, #tpu.memory_space<vmem>>)
          tpu.yield
        }) : () -> ()
        %scan3A_19 = arith.constant 0 : i32
        %scan3A_20 = arith.constant 0 : i32
        %scan3A_21 = arith.constant 5 : i32
        %scan3A_22 = arith.addi %scan3A_20, %scan3A_21 : i32
        %scan3A_23 = arith.constant 1 : i32
        scf.for %scan3A_25 = %scan3A_20 to %scan3A_22 step %scan3A_23  : i32 {
          %mul3A_26 = arith.constant 2 : i32
          %mul3A_27 = arith.muli %scan3A_25, %mul3A_26 : i32
          %add3A_28 = arith.constant 0 : i32
          %add3A_29 = arith.addi %mul3A_27, %add3A_28 : i32
          %ge3A = arith.constant 2 : i32
          %ge3A_30 = arith.cmpi sge, %add3A_29, %ge3A : i32
          %convert_element_type3A_31 = arith.extui %ge3A_30 : i1 to i32
          %cond3A_32 = arith.constant 0 : i32
          %cond3A_33 = arith.cmpi ne, %convert_element_type3A_31, %cond3A_32 : i32
          scf.if %cond3A_33 {
            %dma_wait3A = arith.constant 0 : i32
            %dma_wait3A_67 = arith.constant 0 : i32
            %dma_wait3A_68 = tpu.memref_slice %arg8[%dma_wait3A, %dma_wait3A_67] : memref<8x128xi32, #tpu.memory_space<vmem>> -> memref<1x128xi32, #tpu.memory_space<vmem>>
            %dma_wait3A_69 = tpu.memref_squeeze %dma_wait3A_68 : memref<1x128xi32, #tpu.memory_space<vmem>> -> memref<128xi32, #tpu.memory_space<vmem>>
            %dma_wait3A_70 = arith.constant 0 : i32
            %dma_wait3A_71 = arith.constant 0 : i32
            %dma_wait3A_72 = tpu.memref_slice %arg11[%dma_wait3A_70, %dma_wait3A_71] : memref<10240x128xf32, #tpu.memory_space<vmem_shared>> -> memref<10240x128xf32, #tpu.memory_space<vmem_shared>>
            tpu.wait_indirect_dma semaphore(%arg14 : memref<!tpu.dma_semaphore, #tpu.memory_space<semaphore_mem>>) src(%arg9 : memref<128x128xf32, #tpu.memory_space<vmem>>) dst(%dma_wait3A_72 : memref<10240x128xf32, #tpu.memory_space<vmem_shared>>)
          } else {
          }
          %lt3A = arith.constant 8 : i32
          %lt3A_34 = arith.cmpi slt, %add3A_29, %lt3A : i32
          %convert_element_type3A_35 = arith.extui %lt3A_34 : i1 to i32
          %cond3A_36 = arith.constant 0 : i32
          %cond3A_37 = arith.cmpi ne, %convert_element_type3A_35, %cond3A_36 : i32
          scf.if %cond3A_37 {
            %dma_start3A = arith.constant 0 : i32
            %dma_start3A_67 = tpu.memref_slice %arg7[%add3A_29, %dma_start3A] : memref<8x128xi32, #tpu.memory_space<vmem>> -> memref<1x128xi32, #tpu.memory_space<vmem>>
            %dma_start3A_68 = tpu.memref_squeeze %dma_start3A_67 : memref<1x128xi32, #tpu.memory_space<vmem>> -> memref<128xi32, #tpu.memory_space<vmem>>
            %dma_start3A_69 = arith.constant 0 : i32
            %dma_start3A_70 = arith.constant 0 : i32
            %dma_start3A_71 = tpu.memref_slice %arg2[%dma_start3A_69, %dma_start3A_70] : memref<10240x128xf32, #tpu.memory_space<hbm>> -> memref<10240x128xf32, #tpu.memory_space<hbm>>
            tpu.enqueue_indirect_dma source(%dma_start3A_71 : memref<10240x128xf32, #tpu.memory_space<hbm>>) target(%arg9 : memref<128x128xf32, #tpu.memory_space<vmem>>) offsets(%dma_start3A_68 : memref<128xi32, #tpu.memory_space<vmem>>) semaphore(%arg12 : memref<!tpu.dma_semaphore, #tpu.memory_space<semaphore_mem>>)
          } else {
          }
          %ge3A_38 = arith.constant 1 : i32
          %ge3A_39 = arith.cmpi sge, %add3A_29, %ge3A_38 : i32
          %lt3A_40 = arith.constant 9 : i32
          %lt3A_41 = arith.cmpi slt, %add3A_29, %lt3A_40 : i32
          %and3A = arith.andi %ge3A_39, %lt3A_41 : i1
          %convert_element_type3A_42 = arith.extui %and3A : i1 to i32
          %cond3A_43 = arith.constant 0 : i32
          %cond3A_44 = arith.cmpi ne, %convert_element_type3A_42, %cond3A_43 : i32
          scf.if %cond3A_44 {
            %dma_wait3A = arith.constant 0 : i32
            %dma_wait3A_67 = arith.constant 0 : i32
            %dma_wait3A_68 = tpu.memref_slice %arg7[%dma_wait3A, %dma_wait3A_67] : memref<8x128xi32, #tpu.memory_space<vmem>> -> memref<1x128xi32, #tpu.memory_space<vmem>>
            %dma_wait3A_69 = tpu.memref_squeeze %dma_wait3A_68 : memref<1x128xi32, #tpu.memory_space<vmem>> -> memref<128xi32, #tpu.memory_space<vmem>>
            %dma_wait3A_70 = arith.constant 0 : i32
            %dma_wait3A_71 = arith.constant 0 : i32
            %dma_wait3A_72 = tpu.memref_slice %arg2[%dma_wait3A_70, %dma_wait3A_71] : memref<10240x128xf32, #tpu.memory_space<hbm>> -> memref<10240x128xf32, #tpu.memory_space<hbm>>
            tpu.wait_indirect_dma semaphore(%arg13 : memref<!tpu.dma_semaphore, #tpu.memory_space<semaphore_mem>>) src(%dma_wait3A_72 : memref<10240x128xf32, #tpu.memory_space<hbm>>) dst(%arg10 : memref<128x128xf32, #tpu.memory_space<vmem>>)
            %sub3A = arith.constant 2 : i32
            %sub3A_73 = arith.subi %add3A_29, %sub3A : i32
            %add3A_74 = arith.constant 1 : i32
            %add3A_75 = arith.addi %sub3A_73, %add3A_74 : i32
            %dma_start3A = arith.constant 0 : i32
            %dma_start3A_76 = tpu.memref_slice %arg8[%add3A_75, %dma_start3A] : memref<8x128xi32, #tpu.memory_space<vmem>> -> memref<1x128xi32, #tpu.memory_space<vmem>>
            %dma_start3A_77 = tpu.memref_squeeze %dma_start3A_76 : memref<1x128xi32, #tpu.memory_space<vmem>> -> memref<128xi32, #tpu.memory_space<vmem>>
            %dma_start3A_78 = arith.constant 0 : i32
            %dma_start3A_79 = arith.constant 0 : i32
            %dma_start3A_80 = tpu.memref_slice %arg11[%dma_start3A_78, %dma_start3A_79] : memref<10240x128xf32, #tpu.memory_space<vmem_shared>> -> memref<10240x128xf32, #tpu.memory_space<vmem_shared>>
            tpu.enqueue_indirect_dma source(%arg10 : memref<128x128xf32, #tpu.memory_space<vmem>>) target(%dma_start3A_80 : memref<10240x128xf32, #tpu.memory_space<vmem_shared>>) offsets(%dma_start3A_77 : memref<128xi32, #tpu.memory_space<vmem>>) semaphore(%arg15 : memref<!tpu.dma_semaphore, #tpu.memory_space<semaphore_mem>>) {add = true}
          } else {
          }
          %mul3A_45 = arith.constant 2 : i32
          %mul3A_46 = arith.muli %scan3A_25, %mul3A_45 : i32
          %add3A_47 = arith.constant 1 : i32
          %add3A_48 = arith.addi %mul3A_46, %add3A_47 : i32
          %ge3A_49 = arith.constant 2 : i32
          %ge3A_50 = arith.cmpi sge, %add3A_48, %ge3A_49 : i32
          %convert_element_type3A_51 = arith.extui %ge3A_50 : i1 to i32
          %cond3A_52 = arith.constant 0 : i32
          %cond3A_53 = arith.cmpi ne, %convert_element_type3A_51, %cond3A_52 : i32
          scf.if %cond3A_53 {
            %dma_wait3A = arith.constant 0 : i32
            %dma_wait3A_67 = arith.constant 0 : i32
            %dma_wait3A_68 = tpu.memref_slice %arg8[%dma_wait3A, %dma_wait3A_67] : memref<8x128xi32, #tpu.memory_space<vmem>> -> memref<1x128xi32, #tpu.memory_space<vmem>>
            %dma_wait3A_69 = tpu.memref_squeeze %dma_wait3A_68 : memref<1x128xi32, #tpu.memory_space<vmem>> -> memref<128xi32, #tpu.memory_space<vmem>>
            %dma_wait3A_70 = arith.constant 0 : i32
            %dma_wait3A_71 = arith.constant 0 : i32
            %dma_wait3A_72 = tpu.memref_slice %arg11[%dma_wait3A_70, %dma_wait3A_71] : memref<10240x128xf32, #tpu.memory_space<vmem_shared>> -> memref<10240x128xf32, #tpu.memory_space<vmem_shared>>
            tpu.wait_indirect_dma semaphore(%arg15 : memref<!tpu.dma_semaphore, #tpu.memory_space<semaphore_mem>>) src(%arg10 : memref<128x128xf32, #tpu.memory_space<vmem>>) dst(%dma_wait3A_72 : memref<10240x128xf32, #tpu.memory_space<vmem_shared>>)
          } else {
          }
          %lt3A_54 = arith.constant 8 : i32
          %lt3A_55 = arith.cmpi slt, %add3A_48, %lt3A_54 : i32
          %convert_element_type3A_56 = arith.extui %lt3A_55 : i1 to i32
          %cond3A_57 = arith.constant 0 : i32
          %cond3A_58 = arith.cmpi ne, %convert_element_type3A_56, %cond3A_57 : i32
          scf.if %cond3A_58 {
            %dma_start3A = arith.constant 0 : i32
            %dma_start3A_67 = tpu.memref_slice %arg7[%add3A_48, %dma_start3A] : memref<8x128xi32, #tpu.memory_space<vmem>> -> memref<1x128xi32, #tpu.memory_space<vmem>>
            %dma_start3A_68 = tpu.memref_squeeze %dma_start3A_67 : memref<1x128xi32, #tpu.memory_space<vmem>> -> memref<128xi32, #tpu.memory_space<vmem>>
            %dma_start3A_69 = arith.constant 0 : i32
            %dma_start3A_70 = arith.constant 0 : i32
            %dma_start3A_71 = tpu.memref_slice %arg2[%dma_start3A_69, %dma_start3A_70] : memref<10240x128xf32, #tpu.memory_space<hbm>> -> memref<10240x128xf32, #tpu.memory_space<hbm>>
            tpu.enqueue_indirect_dma source(%dma_start3A_71 : memref<10240x128xf32, #tpu.memory_space<hbm>>) target(%arg10 : memref<128x128xf32, #tpu.memory_space<vmem>>) offsets(%dma_start3A_68 : memref<128xi32, #tpu.memory_space<vmem>>) semaphore(%arg13 : memref<!tpu.dma_semaphore, #tpu.memory_space<semaphore_mem>>)
          } else {
          }
          %ge3A_59 = arith.constant 1 : i32
          %ge3A_60 = arith.cmpi sge, %add3A_48, %ge3A_59 : i32
          %lt3A_61 = arith.constant 9 : i32
          %lt3A_62 = arith.cmpi slt, %add3A_48, %lt3A_61 : i32
          %and3A_63 = arith.andi %ge3A_60, %lt3A_62 : i1
          %convert_element_type3A_64 = arith.extui %and3A_63 : i1 to i32
          %cond3A_65 = arith.constant 0 : i32
          %cond3A_66 = arith.cmpi ne, %convert_element_type3A_64, %cond3A_65 : i32
          scf.if %cond3A_66 {
            %dma_wait3A = arith.constant 0 : i32
            %dma_wait3A_67 = arith.constant 0 : i32
            %dma_wait3A_68 = tpu.memref_slice %arg7[%dma_wait3A, %dma_wait3A_67] : memref<8x128xi32, #tpu.memory_space<vmem>> -> memref<1x128xi32, #tpu.memory_space<vmem>>
            %dma_wait3A_69 = tpu.memref_squeeze %dma_wait3A_68 : memref<1x128xi32, #tpu.memory_space<vmem>> -> memref<128xi32, #tpu.memory_space<vmem>>
            %dma_wait3A_70 = arith.constant 0 : i32
            %dma_wait3A_71 = arith.constant 0 : i32
            %dma_wait3A_72 = tpu.memref_slice %arg2[%dma_wait3A_70, %dma_wait3A_71] : memref<10240x128xf32, #tpu.memory_space<hbm>> -> memref<10240x128xf32, #tpu.memory_space<hbm>>
            tpu.wait_indirect_dma semaphore(%arg12 : memref<!tpu.dma_semaphore, #tpu.memory_space<semaphore_mem>>) src(%dma_wait3A_72 : memref<10240x128xf32, #tpu.memory_space<hbm>>) dst(%arg9 : memref<128x128xf32, #tpu.memory_space<vmem>>)
            %sub3A = arith.constant 2 : i32
            %sub3A_73 = arith.subi %add3A_48, %sub3A : i32
            %add3A_74 = arith.constant 1 : i32
            %add3A_75 = arith.addi %sub3A_73, %add3A_74 : i32
            %dma_start3A = arith.constant 0 : i32
            %dma_start3A_76 = tpu.memref_slice %arg8[%add3A_75, %dma_start3A] : memref<8x128xi32, #tpu.memory_space<vmem>> -> memref<1x128xi32, #tpu.memory_space<vmem>>
            %dma_start3A_77 = tpu.memref_squeeze %dma_start3A_76 : memref<1x128xi32, #tpu.memory_space<vmem>> -> memref<128xi32, #tpu.memory_space<vmem>>
            %dma_start3A_78 = arith.constant 0 : i32
            %dma_start3A_79 = arith.constant 0 : i32
            %dma_start3A_80 = tpu.memref_slice %arg11[%dma_start3A_78, %dma_start3A_79] : memref<10240x128xf32, #tpu.memory_space<vmem_shared>> -> memref<10240x128xf32, #tpu.memory_space<vmem_shared>>
            tpu.enqueue_indirect_dma source(%arg9 : memref<128x128xf32, #tpu.memory_space<vmem>>) target(%dma_start3A_80 : memref<10240x128xf32, #tpu.memory_space<vmem_shared>>) offsets(%dma_start3A_77 : memref<128xi32, #tpu.memory_space<vmem>>) semaphore(%arg14 : memref<!tpu.dma_semaphore, #tpu.memory_space<semaphore_mem>>) {add = true}
          } else {
          }
        }
        %scan3A_24 = arith.constant 5 : i32
      }
      %scan3A_15 = arith.constant 19 : i32
    } else {
    }
    %eq3A_3 = arith.constant 1 : i32
    %eq3A_4 = arith.cmpi eq, %arg0, %eq3A_3 : i32
    %convert_element_type3A_5 = arith.extui %eq3A_4 : i1 to i32
    %cond3A_6 = arith.constant 0 : i32
    %cond3A_7 = arith.cmpi ne, %convert_element_type3A_5, %cond3A_6 : i32
    scf.if %cond3A_7 {
      %mul3A_9 = arith.constant 8 : i32
      %mul3A_10 = arith.muli %arg1, %mul3A_9 : i32
      %add3A = arith.constant 2432 : i32
      %add3A_11 = arith.addi %add3A, %mul3A_10 : i32
      %scan3A = arith.constant 0 : i32
      %scan3A_12 = arith.constant 0 : i32
      %mul3A_13 = arith.constant 8 : i32
      %mul3A_14 = arith.muli %scan3A_12, %mul3A_13 : i32
      %add3A_15 = arith.addi %add3A_11, %mul3A_14 : i32
      "tpu.region"() ({
        %run_scoped3A = tpu.sem_alloc : memref<!tpu.dma_semaphore, #tpu.memory_space<semaphore_mem>>
        %dma_start3A = arith.constant 0 : i32
        %dma_start3A_23 = tpu.memref_slice %arg3[%add3A_15, %dma_start3A] : memref<2560x128xi32, #tpu.memory_space<hbm>> -> memref<8x128xi32, #tpu.memory_space<hbm>>
        %dma_start3A_24 = arith.constant 0 : i32
        %dma_start3A_25 = tpu.memref_slice %arg3[%add3A_15, %dma_start3A_24] : memref<2560x128xi32, #tpu.memory_space<hbm>> -> memref<8x128xi32, #tpu.memory_space<hbm>>
        tpu.enqueue_dma source(%dma_start3A_25 : memref<8x128xi32, #tpu.memory_space<hbm>>) target(%arg7 : memref<8x128xi32, #tpu.memory_space<vmem>>) target_semaphore(%run_scoped3A : memref<!tpu.dma_semaphore, #tpu.memory_space<semaphore_mem>>)
        %dma_wait3A = arith.constant 0 : i32
        %dma_wait3A_26 = tpu.memref_slice %arg3[%add3A_15, %dma_wait3A] : memref<2560x128xi32, #tpu.memory_space<hbm>> -> memref<8x128xi32, #tpu.memory_space<hbm>>
        %dma_wait3A_27 = arith.constant 0 : i32
        %dma_wait3A_28 = tpu.memref_slice %arg3[%add3A_15, %dma_wait3A_27] : memref<2560x128xi32, #tpu.memory_space<hbm>> -> memref<8x128xi32, #tpu.memory_space<hbm>>
        tpu.wait_dma2 semaphore(%run_scoped3A : memref<!tpu.dma_semaphore, #tpu.memory_space<semaphore_mem>>) src(%dma_wait3A_28 : memref<8x128xi32, #tpu.memory_space<hbm>>) dst(%arg7 : memref<8x128xi32, #tpu.memory_space<vmem>>)
        tpu.yield
      }) : () -> ()
      "tpu.region"() ({
        %run_scoped3A = tpu.sem_alloc : memref<!tpu.dma_semaphore, #tpu.memory_space<semaphore_mem>>
        %dma_start3A = arith.constant 0 : i32
        %dma_start3A_23 = tpu.memref_slice %arg4[%add3A_15, %dma_start3A] : memref<2560x128xi32, #tpu.memory_space<hbm>> -> memref<8x128xi32, #tpu.memory_space<hbm>>
        %dma_start3A_24 = arith.constant 0 : i32
        %dma_start3A_25 = tpu.memref_slice %arg4[%add3A_15, %dma_start3A_24] : memref<2560x128xi32, #tpu.memory_space<hbm>> -> memref<8x128xi32, #tpu.memory_space<hbm>>
        tpu.enqueue_dma source(%dma_start3A_25 : memref<8x128xi32, #tpu.memory_space<hbm>>) target(%arg8 : memref<8x128xi32, #tpu.memory_space<vmem>>) target_semaphore(%run_scoped3A : memref<!tpu.dma_semaphore, #tpu.memory_space<semaphore_mem>>)
        %dma_wait3A = arith.constant 0 : i32
        %dma_wait3A_26 = tpu.memref_slice %arg4[%add3A_15, %dma_wait3A] : memref<2560x128xi32, #tpu.memory_space<hbm>> -> memref<8x128xi32, #tpu.memory_space<hbm>>
        %dma_wait3A_27 = arith.constant 0 : i32
        %dma_wait3A_28 = tpu.memref_slice %arg4[%add3A_15, %dma_wait3A_27] : memref<2560x128xi32, #tpu.memory_space<hbm>> -> memref<8x128xi32, #tpu.memory_space<hbm>>
        tpu.wait_dma2 semaphore(%run_scoped3A : memref<!tpu.dma_semaphore, #tpu.memory_space<semaphore_mem>>) src(%dma_wait3A_28 : memref<8x128xi32, #tpu.memory_space<hbm>>) dst(%arg8 : memref<8x128xi32, #tpu.memory_space<vmem>>)
        tpu.yield
      }) : () -> ()
      %scan3A_16 = arith.constant 0 : i32
      %scan3A_17 = arith.constant 0 : i32
      %scan3A_18 = arith.constant 5 : i32
      %scan3A_19 = arith.addi %scan3A_17, %scan3A_18 : i32
      %scan3A_20 = arith.constant 1 : i32
      scf.for %scan3A_23 = %scan3A_17 to %scan3A_19 step %scan3A_20  : i32 {
        %mul3A_24 = arith.constant 2 : i32
        %mul3A_25 = arith.muli %scan3A_23, %mul3A_24 : i32
        %add3A_26 = arith.constant 0 : i32
        %add3A_27 = arith.addi %mul3A_25, %add3A_26 : i32
        %ge3A = arith.constant 2 : i32
        %ge3A_28 = arith.cmpi sge, %add3A_27, %ge3A : i32
        %convert_element_type3A_29 = arith.extui %ge3A_28 : i1 to i32
        %cond3A_30 = arith.constant 0 : i32
        %cond3A_31 = arith.cmpi ne, %convert_element_type3A_29, %cond3A_30 : i32
        scf.if %cond3A_31 {
          %dma_wait3A = arith.constant 0 : i32
          %dma_wait3A_65 = arith.constant 0 : i32
          %dma_wait3A_66 = tpu.memref_slice %arg8[%dma_wait3A, %dma_wait3A_65] : memref<8x128xi32, #tpu.memory_space<vmem>> -> memref<1x128xi32, #tpu.memory_space<vmem>>
          %dma_wait3A_67 = tpu.memref_squeeze %dma_wait3A_66 : memref<1x128xi32, #tpu.memory_space<vmem>> -> memref<128xi32, #tpu.memory_space<vmem>>
          %dma_wait3A_68 = arith.constant 0 : i32
          %dma_wait3A_69 = arith.constant 0 : i32
          %dma_wait3A_70 = tpu.memref_slice %arg11[%dma_wait3A_68, %dma_wait3A_69] : memref<10240x128xf32, #tpu.memory_space<vmem_shared>> -> memref<10240x128xf32, #tpu.memory_space<vmem_shared>>
          tpu.wait_indirect_dma semaphore(%arg14 : memref<!tpu.dma_semaphore, #tpu.memory_space<semaphore_mem>>) src(%arg9 : memref<128x128xf32, #tpu.memory_space<vmem>>) dst(%dma_wait3A_70 : memref<10240x128xf32, #tpu.memory_space<vmem_shared>>)
        } else {
        }
        %lt3A = arith.constant 8 : i32
        %lt3A_32 = arith.cmpi slt, %add3A_27, %lt3A : i32
        %convert_element_type3A_33 = arith.extui %lt3A_32 : i1 to i32
        %cond3A_34 = arith.constant 0 : i32
        %cond3A_35 = arith.cmpi ne, %convert_element_type3A_33, %cond3A_34 : i32
        scf.if %cond3A_35 {
          %dma_start3A = arith.constant 0 : i32
          %dma_start3A_65 = tpu.memref_slice %arg7[%add3A_27, %dma_start3A] : memref<8x128xi32, #tpu.memory_space<vmem>> -> memref<1x128xi32, #tpu.memory_space<vmem>>
          %dma_start3A_66 = tpu.memref_squeeze %dma_start3A_65 : memref<1x128xi32, #tpu.memory_space<vmem>> -> memref<128xi32, #tpu.memory_space<vmem>>
          %dma_start3A_67 = arith.constant 0 : i32
          %dma_start3A_68 = arith.constant 0 : i32
          %dma_start3A_69 = tpu.memref_slice %arg2[%dma_start3A_67, %dma_start3A_68] : memref<10240x128xf32, #tpu.memory_space<hbm>> -> memref<10240x128xf32, #tpu.memory_space<hbm>>
          tpu.enqueue_indirect_dma source(%dma_start3A_69 : memref<10240x128xf32, #tpu.memory_space<hbm>>) target(%arg9 : memref<128x128xf32, #tpu.memory_space<vmem>>) offsets(%dma_start3A_66 : memref<128xi32, #tpu.memory_space<vmem>>) semaphore(%arg12 : memref<!tpu.dma_semaphore, #tpu.memory_space<semaphore_mem>>)
        } else {
        }
        %ge3A_36 = arith.constant 1 : i32
        %ge3A_37 = arith.cmpi sge, %add3A_27, %ge3A_36 : i32
        %lt3A_38 = arith.constant 9 : i32
        %lt3A_39 = arith.cmpi slt, %add3A_27, %lt3A_38 : i32
        %and3A = arith.andi %ge3A_37, %lt3A_39 : i1
        %convert_element_type3A_40 = arith.extui %and3A : i1 to i32
        %cond3A_41 = arith.constant 0 : i32
        %cond3A_42 = arith.cmpi ne, %convert_element_type3A_40, %cond3A_41 : i32
        scf.if %cond3A_42 {
          %dma_wait3A = arith.constant 0 : i32
          %dma_wait3A_65 = arith.constant 0 : i32
          %dma_wait3A_66 = tpu.memref_slice %arg7[%dma_wait3A, %dma_wait3A_65] : memref<8x128xi32, #tpu.memory_space<vmem>> -> memref<1x128xi32, #tpu.memory_space<vmem>>
          %dma_wait3A_67 = tpu.memref_squeeze %dma_wait3A_66 : memref<1x128xi32, #tpu.memory_space<vmem>> -> memref<128xi32, #tpu.memory_space<vmem>>
          %dma_wait3A_68 = arith.constant 0 : i32
          %dma_wait3A_69 = arith.constant 0 : i32
          %dma_wait3A_70 = tpu.memref_slice %arg2[%dma_wait3A_68, %dma_wait3A_69] : memref<10240x128xf32, #tpu.memory_space<hbm>> -> memref<10240x128xf32, #tpu.memory_space<hbm>>
          tpu.wait_indirect_dma semaphore(%arg13 : memref<!tpu.dma_semaphore, #tpu.memory_space<semaphore_mem>>) src(%dma_wait3A_70 : memref<10240x128xf32, #tpu.memory_space<hbm>>) dst(%arg10 : memref<128x128xf32, #tpu.memory_space<vmem>>)
          %sub3A = arith.constant 2 : i32
          %sub3A_71 = arith.subi %add3A_27, %sub3A : i32
          %add3A_72 = arith.constant 1 : i32
          %add3A_73 = arith.addi %sub3A_71, %add3A_72 : i32
          %dma_start3A = arith.constant 0 : i32
          %dma_start3A_74 = tpu.memref_slice %arg8[%add3A_73, %dma_start3A] : memref<8x128xi32, #tpu.memory_space<vmem>> -> memref<1x128xi32, #tpu.memory_space<vmem>>
          %dma_start3A_75 = tpu.memref_squeeze %dma_start3A_74 : memref<1x128xi32, #tpu.memory_space<vmem>> -> memref<128xi32, #tpu.memory_space<vmem>>
          %dma_start3A_76 = arith.constant 0 : i32
          %dma_start3A_77 = arith.constant 0 : i32
          %dma_start3A_78 = tpu.memref_slice %arg11[%dma_start3A_76, %dma_start3A_77] : memref<10240x128xf32, #tpu.memory_space<vmem_shared>> -> memref<10240x128xf32, #tpu.memory_space<vmem_shared>>
          tpu.enqueue_indirect_dma source(%arg10 : memref<128x128xf32, #tpu.memory_space<vmem>>) target(%dma_start3A_78 : memref<10240x128xf32, #tpu.memory_space<vmem_shared>>) offsets(%dma_start3A_75 : memref<128xi32, #tpu.memory_space<vmem>>) semaphore(%arg15 : memref<!tpu.dma_semaphore, #tpu.memory_space<semaphore_mem>>) {add = true}
        } else {
        }
        %mul3A_43 = arith.constant 2 : i32
        %mul3A_44 = arith.muli %scan3A_23, %mul3A_43 : i32
        %add3A_45 = arith.constant 1 : i32
        %add3A_46 = arith.addi %mul3A_44, %add3A_45 : i32
        %ge3A_47 = arith.constant 2 : i32
        %ge3A_48 = arith.cmpi sge, %add3A_46, %ge3A_47 : i32
        %convert_element_type3A_49 = arith.extui %ge3A_48 : i1 to i32
        %cond3A_50 = arith.constant 0 : i32
        %cond3A_51 = arith.cmpi ne, %convert_element_type3A_49, %cond3A_50 : i32
        scf.if %cond3A_51 {
          %dma_wait3A = arith.constant 0 : i32
          %dma_wait3A_65 = arith.constant 0 : i32
          %dma_wait3A_66 = tpu.memref_slice %arg8[%dma_wait3A, %dma_wait3A_65] : memref<8x128xi32, #tpu.memory_space<vmem>> -> memref<1x128xi32, #tpu.memory_space<vmem>>
          %dma_wait3A_67 = tpu.memref_squeeze %dma_wait3A_66 : memref<1x128xi32, #tpu.memory_space<vmem>> -> memref<128xi32, #tpu.memory_space<vmem>>
          %dma_wait3A_68 = arith.constant 0 : i32
          %dma_wait3A_69 = arith.constant 0 : i32
          %dma_wait3A_70 = tpu.memref_slice %arg11[%dma_wait3A_68, %dma_wait3A_69] : memref<10240x128xf32, #tpu.memory_space<vmem_shared>> -> memref<10240x128xf32, #tpu.memory_space<vmem_shared>>
          tpu.wait_indirect_dma semaphore(%arg15 : memref<!tpu.dma_semaphore, #tpu.memory_space<semaphore_mem>>) src(%arg10 : memref<128x128xf32, #tpu.memory_space<vmem>>) dst(%dma_wait3A_70 : memref<10240x128xf32, #tpu.memory_space<vmem_shared>>)
        } else {
        }
        %lt3A_52 = arith.constant 8 : i32
        %lt3A_53 = arith.cmpi slt, %add3A_46, %lt3A_52 : i32
        %convert_element_type3A_54 = arith.extui %lt3A_53 : i1 to i32
        %cond3A_55 = arith.constant 0 : i32
        %cond3A_56 = arith.cmpi ne, %convert_element_type3A_54, %cond3A_55 : i32
        scf.if %cond3A_56 {
          %dma_start3A = arith.constant 0 : i32
          %dma_start3A_65 = tpu.memref_slice %arg7[%add3A_46, %dma_start3A] : memref<8x128xi32, #tpu.memory_space<vmem>> -> memref<1x128xi32, #tpu.memory_space<vmem>>
          %dma_start3A_66 = tpu.memref_squeeze %dma_start3A_65 : memref<1x128xi32, #tpu.memory_space<vmem>> -> memref<128xi32, #tpu.memory_space<vmem>>
          %dma_start3A_67 = arith.constant 0 : i32
          %dma_start3A_68 = arith.constant 0 : i32
          %dma_start3A_69 = tpu.memref_slice %arg2[%dma_start3A_67, %dma_start3A_68] : memref<10240x128xf32, #tpu.memory_space<hbm>> -> memref<10240x128xf32, #tpu.memory_space<hbm>>
          tpu.enqueue_indirect_dma source(%dma_start3A_69 : memref<10240x128xf32, #tpu.memory_space<hbm>>) target(%arg10 : memref<128x128xf32, #tpu.memory_space<vmem>>) offsets(%dma_start3A_66 : memref<128xi32, #tpu.memory_space<vmem>>) semaphore(%arg13 : memref<!tpu.dma_semaphore, #tpu.memory_space<semaphore_mem>>)
        } else {
        }
        %ge3A_57 = arith.constant 1 : i32
        %ge3A_58 = arith.cmpi sge, %add3A_46, %ge3A_57 : i32
        %lt3A_59 = arith.constant 9 : i32
        %lt3A_60 = arith.cmpi slt, %add3A_46, %lt3A_59 : i32
        %and3A_61 = arith.andi %ge3A_58, %lt3A_60 : i1
        %convert_element_type3A_62 = arith.extui %and3A_61 : i1 to i32
        %cond3A_63 = arith.constant 0 : i32
        %cond3A_64 = arith.cmpi ne, %convert_element_type3A_62, %cond3A_63 : i32
        scf.if %cond3A_64 {
          %dma_wait3A = arith.constant 0 : i32
          %dma_wait3A_65 = arith.constant 0 : i32
          %dma_wait3A_66 = tpu.memref_slice %arg7[%dma_wait3A, %dma_wait3A_65] : memref<8x128xi32, #tpu.memory_space<vmem>> -> memref<1x128xi32, #tpu.memory_space<vmem>>
          %dma_wait3A_67 = tpu.memref_squeeze %dma_wait3A_66 : memref<1x128xi32, #tpu.memory_space<vmem>> -> memref<128xi32, #tpu.memory_space<vmem>>
          %dma_wait3A_68 = arith.constant 0 : i32
          %dma_wait3A_69 = arith.constant 0 : i32
          %dma_wait3A_70 = tpu.memref_slice %arg2[%dma_wait3A_68, %dma_wait3A_69] : memref<10240x128xf32, #tpu.memory_space<hbm>> -> memref<10240x128xf32, #tpu.memory_space<hbm>>
          tpu.wait_indirect_dma semaphore(%arg12 : memref<!tpu.dma_semaphore, #tpu.memory_space<semaphore_mem>>) src(%dma_wait3A_70 : memref<10240x128xf32, #tpu.memory_space<hbm>>) dst(%arg9 : memref<128x128xf32, #tpu.memory_space<vmem>>)
          %sub3A = arith.constant 2 : i32
          %sub3A_71 = arith.subi %add3A_46, %sub3A : i32
          %add3A_72 = arith.constant 1 : i32
          %add3A_73 = arith.addi %sub3A_71, %add3A_72 : i32
          %dma_start3A = arith.constant 0 : i32
          %dma_start3A_74 = tpu.memref_slice %arg8[%add3A_73, %dma_start3A] : memref<8x128xi32, #tpu.memory_space<vmem>> -> memref<1x128xi32, #tpu.memory_space<vmem>>
          %dma_start3A_75 = tpu.memref_squeeze %dma_start3A_74 : memref<1x128xi32, #tpu.memory_space<vmem>> -> memref<128xi32, #tpu.memory_space<vmem>>
          %dma_start3A_76 = arith.constant 0 : i32
          %dma_start3A_77 = arith.constant 0 : i32
          %dma_start3A_78 = tpu.memref_slice %arg11[%dma_start3A_76, %dma_start3A_77] : memref<10240x128xf32, #tpu.memory_space<vmem_shared>> -> memref<10240x128xf32, #tpu.memory_space<vmem_shared>>
          tpu.enqueue_indirect_dma source(%arg9 : memref<128x128xf32, #tpu.memory_space<vmem>>) target(%dma_start3A_78 : memref<10240x128xf32, #tpu.memory_space<vmem_shared>>) offsets(%dma_start3A_75 : memref<128xi32, #tpu.memory_space<vmem>>) semaphore(%arg14 : memref<!tpu.dma_semaphore, #tpu.memory_space<semaphore_mem>>) {add = true}
        } else {
        }
      }
      %scan3A_21 = arith.constant 5 : i32
      %scan3A_22 = arith.constant 1 : i32
    } else {
    }
    %barrier3A_8 = arith.constant 0 : index
    tpu.barrier barrier_id(%barrier3A_8)
    "tpu.region"() ({
      %run_scoped3A = tpu.sem_alloc : memref<!tpu.dma_semaphore, #tpu.memory_space<semaphore_mem>>
      %dma_start3A = arith.constant 0 : i32
      %dma_start3A_9 = tpu.memref_slice %arg6[%arg0, %mul3A_0, %dma_start3A] : memref<2x10240x128xf32, #tpu.memory_space<hbm>> -> memref<1x640x128xf32, #tpu.memory_space<hbm>>
      %dma_start3A_10 = tpu.memref_squeeze %dma_start3A_9 : memref<1x640x128xf32, #tpu.memory_space<hbm>> -> memref<640x128xf32, #tpu.memory_space<hbm>>
      %dma_start3A_11 = arith.constant 0 : i32
      %dma_start3A_12 = tpu.memref_slice %arg11[%mul3A_0, %dma_start3A_11] : memref<10240x128xf32, #tpu.memory_space<vmem_shared>> -> memref<640x128xf32, #tpu.memory_space<vmem_shared>>
      tpu.enqueue_dma source(%dma_start3A_12 : memref<640x128xf32, #tpu.memory_space<vmem_shared>>) target(%dma_start3A_10 : memref<640x128xf32, #tpu.memory_space<hbm>>) target_semaphore(%run_scoped3A : memref<!tpu.dma_semaphore, #tpu.memory_space<semaphore_mem>>)
      %dma_wait3A = arith.constant 0 : i32
      %dma_wait3A_13 = tpu.memref_slice %arg6[%arg0, %mul3A_0, %dma_wait3A] : memref<2x10240x128xf32, #tpu.memory_space<hbm>> -> memref<1x640x128xf32, #tpu.memory_space<hbm>>
      %dma_wait3A_14 = tpu.memref_squeeze %dma_wait3A_13 : memref<1x640x128xf32, #tpu.memory_space<hbm>> -> memref<640x128xf32, #tpu.memory_space<hbm>>
      %dma_wait3A_15 = arith.constant 0 : i32
      %dma_wait3A_16 = tpu.memref_slice %arg11[%mul3A_0, %dma_wait3A_15] : memref<10240x128xf32, #tpu.memory_space<vmem_shared>> -> memref<640x128xf32, #tpu.memory_space<vmem_shared>>
      tpu.wait_dma2 semaphore(%run_scoped3A : memref<!tpu.dma_semaphore, #tpu.memory_space<semaphore_mem>>) src(%dma_wait3A_16 : memref<640x128xf32, #tpu.memory_space<vmem_shared>>) dst(%dma_wait3A_14 : memref<640x128xf32, #tpu.memory_space<hbm>>)
      tpu.yield
    }) : () -> ()
    return
  }
}

module attributes {stable_mosaic.version = 14 : i64} {
  func.func @body(%arg0: i32, %arg1: memref<512x128xf32, #tpu.memory_space<vmem>>, %arg2: memref<128x128xf32, #tpu.memory_space<vmem>>, %arg3: memref<512x1xf32, #tpu.memory_space<vmem>>, %arg4: memref<512x128xf32, #tpu.memory_space<vmem>>) attributes {dimension_semantics = [#tpu.dimension_semantics<arbitrary>], iteration_bounds = array<i64: 20>, scalar_prefetch = 0 : i64, scratch_operands = 0 : i64, tpu.core_type = #tpu.core_type<tc>, window_params = [{transform_indices = @transform_0, window_bounds = array<i64: 512, 128>}, {pipeline_mode = #tpu.pipeline_mode<synchronous>, transform_indices = @transform_1, window_bounds = array<i64: 128, 128>}, {transform_indices = @transform_2, window_bounds = array<i64: 512, 1>}, {transform_indices = @transform_3, window_bounds = array<i64: 512, 128>}]} {
    %get3A = arith.constant 0 : index
    %get3A_0 = arith.constant 0 : index
    %get3A_1 = vector.load %arg1[%get3A, %get3A_0] : memref<512x128xf32, #tpu.memory_space<vmem>>, vector<512x128xf32>
    %get3A_2 = arith.constant 0 : index
    %get3A_3 = arith.constant 0 : index
    %get3A_4 = vector.load %arg2[%get3A_2, %get3A_3] : memref<128x128xf32, #tpu.memory_space<vmem>>, vector<128x128xf32>
    %dot_general3A = arith.constant dense<0.000000e+00> : vector<512x128xf32>
    %dot_general3A_5 = tpu.matmul %get3A_1, %get3A_4, %dot_general3A {dimension_numbers = #tpu.dot_dimension_numbers<[1], [0], [0], [1], [0, 0, 1, 1], [], []>, transpose_lhs_hint = false} : vector<512x128xf32>, vector<128x128xf32>, vector<512x128xf32> -> vector<512x128xf32>
    %get3A_6 = arith.constant 0 : index
    %get3A_7 = arith.constant 0 : index
    %get3A_8 = vector.load %arg3[%get3A_6, %get3A_7] : memref<512x1xf32, #tpu.memory_space<vmem>>, vector<512x1xf32>
    %rsqrt3A = math.rsqrt %get3A_8 : vector<512x1xf32>
    %mul3A = vector.broadcast %rsqrt3A : vector<512x1xf32> to vector<512x128xf32>
    %mul3A_9 = arith.mulf %dot_general3A_5, %mul3A : vector<512x128xf32>
    %swap3A = arith.constant 0 : index
    %swap3A_10 = arith.constant 0 : index
    %swap3A_11 = vector.load %arg4[%swap3A, %swap3A_10] : memref<512x128xf32, #tpu.memory_space<vmem>>, vector<512x128xf32>
    tpu.vector_store %arg4[%swap3A, %swap3A_10], %mul3A_9 {strides = array<i32>} : memref<512x128xf32, #tpu.memory_space<vmem>>, vector<512x128xf32>,
    return
  }
  func.func @transform_0(%arg0: i32) -> (i32, i32) {
    %c0_i32 = arith.constant 0 : i32
    %c0_i32_0 = arith.constant 0 : i32
    return %arg0, %c0_i32 : i32, i32
  }
  func.func @transform_1(%arg0: i32) -> (i32, i32) {
    %c0_i32 = arith.constant 0 : i32
    %c0_i32_0 = arith.constant 0 : i32
    %c0_i32_1 = arith.constant 0 : i32
    return %c0_i32, %c0_i32_0 : i32, i32
  }
  func.func @transform_2(%arg0: i32) -> (i32, i32) {
    %c0_i32 = arith.constant 0 : i32
    %c0_i32_0 = arith.constant 0 : i32
    return %arg0, %c0_i32 : i32, i32
  }
  func.func @transform_3(%arg0: i32) -> (i32, i32) {
    %c0_i32 = arith.constant 0 : i32
    %c0_i32_0 = arith.constant 0 : i32
    return %arg0, %c0_i32 : i32, i32
  }
}

module attributes {stable_mosaic.version = 14 : i64} {
  func.func @body(%arg0: i32, %arg1: memref<2x512x128xf32, #tpu.memory_space<vmem>>, %arg2: memref<512x128xf32, #tpu.memory_space<vmem>>, %arg3: memref<512x1xf32, #tpu.memory_space<vmem>>, %arg4: memref<1x128xf32, #tpu.memory_space<vmem>>, %arg5: memref<1x128xf32, #tpu.memory_space<vmem>>, %arg6: memref<128x128xf32, #tpu.memory_space<vmem>>, %arg7: memref<512x128xf32, #tpu.memory_space<vmem>>) attributes {dimension_semantics = [#tpu.dimension_semantics<arbitrary>], iteration_bounds = array<i64: 20>, scalar_prefetch = 0 : i64, scratch_operands = 0 : i64, tpu.core_type = #tpu.core_type<tc>, window_params = [{transform_indices = @transform_0, window_bounds = array<i64: 2, 512, 128>}, {transform_indices = @transform_1, window_bounds = array<i64: 512, 128>}, {transform_indices = @transform_2, window_bounds = array<i64: 512, 1>}, {pipeline_mode = #tpu.pipeline_mode<synchronous>, transform_indices = @transform_3, window_bounds = array<i64: 1, 128>}, {pipeline_mode = #tpu.pipeline_mode<synchronous>, transform_indices = @transform_4, window_bounds = array<i64: 1, 128>}, {pipeline_mode = #tpu.pipeline_mode<synchronous>, transform_indices = @transform_5, window_bounds = array<i64: 128, 128>}, {transform_indices = @transform_6, window_bounds = array<i64: 512, 128>}]} {
    %get3A = arith.constant 0 : index
    %get3A_0 = arith.constant 0 : index
    %get3A_1 = vector.load %arg3[%get3A, %get3A_0] : memref<512x1xf32, #tpu.memory_space<vmem>>, vector<512x1xf32>
    %rsqrt3A = math.rsqrt %get3A_1 : vector<512x1xf32>
    %get3A_2 = arith.constant 0 : index
    %get3A_3 = arith.constant 0 : index
    %get3A_4 = arith.constant 0 : index
    %get3A_5 = vector.load %arg1[%get3A_2, %get3A_3, %get3A_4] : memref<2x512x128xf32, #tpu.memory_space<vmem>>, vector<1x512x128xf32>
    %get3A_6 = vector.shape_cast %get3A_5 : vector<1x512x128xf32> to vector<512x128xf32>
    %get3A_7 = arith.constant 1 : index
    %get3A_8 = arith.constant 0 : index
    %get3A_9 = arith.constant 0 : index
    %get3A_10 = vector.load %arg1[%get3A_7, %get3A_8, %get3A_9] : memref<2x512x128xf32, #tpu.memory_space<vmem>>, vector<1x512x128xf32>
    %get3A_11 = vector.shape_cast %get3A_10 : vector<1x512x128xf32> to vector<512x128xf32>
    %add3A = arith.addf %get3A_6, %get3A_11 : vector<512x128xf32>
    %get3A_12 = arith.constant 0 : index
    %get3A_13 = arith.constant 0 : index
    %get3A_14 = vector.load %arg2[%get3A_12, %get3A_13] : memref<512x128xf32, #tpu.memory_space<vmem>>, vector<512x128xf32>
    %add3A_15 = arith.addf %add3A, %get3A_14 : vector<512x128xf32>
    %mul3A = vector.broadcast %rsqrt3A : vector<512x1xf32> to vector<512x128xf32>
    %mul3A_16 = arith.mulf %add3A_15, %mul3A : vector<512x128xf32>
    %get3A_17 = arith.constant 0 : index
    %get3A_18 = arith.constant 0 : index
    %get3A_19 = vector.load %arg4[%get3A_17, %get3A_18] : memref<1x128xf32, #tpu.memory_space<vmem>>, vector<1x128xf32>
    %add3A_20 = vector.broadcast %get3A_19 : vector<1x128xf32> to vector<512x128xf32>
    %add3A_21 = arith.addf %mul3A_16, %add3A_20 : vector<512x128xf32>
    %gt3A = arith.constant 0.000000e+00 : f32
    %gt3A_22 = vector.broadcast %gt3A : f32 to vector<512x128xf32>
    %gt3A_23 = arith.cmpf ogt, %add3A_21, %gt3A_22 : vector<512x128xf32>
    %get3A_24 = arith.constant 0 : index
    %get3A_25 = arith.constant 0 : index
    %get3A_26 = vector.load %arg5[%get3A_24, %get3A_25] : memref<1x128xf32, #tpu.memory_space<vmem>>, vector<1x128xf32>
    %mul3A_27 = vector.broadcast %get3A_26 : vector<1x128xf32> to vector<512x128xf32>
    %mul3A_28 = arith.mulf %mul3A_27, %add3A_21 : vector<512x128xf32>
    %select_n3A = arith.select %gt3A_23, %add3A_21, %mul3A_28 : vector<512x128xi1>, vector<512x128xf32>
    %get3A_29 = arith.constant 0 : index
    %get3A_30 = arith.constant 0 : index
    %get3A_31 = vector.load %arg6[%get3A_29, %get3A_30] : memref<128x128xf32, #tpu.memory_space<vmem>>, vector<128x128xf32>
    %dot_general3A = arith.constant dense<0.000000e+00> : vector<512x128xf32>
    %dot_general3A_32 = tpu.matmul %select_n3A, %get3A_31, %dot_general3A {dimension_numbers = #tpu.dot_dimension_numbers<[1], [0], [0], [1], [0, 0, 1, 1], [], []>, transpose_lhs_hint = false} : vector<512x128xf32>, vector<128x128xf32>, vector<512x128xf32> -> vector<512x128xf32>
    %mul3A_33 = vector.broadcast %rsqrt3A : vector<512x1xf32> to vector<512x128xf32>
    %mul3A_34 = arith.mulf %dot_general3A_32, %mul3A_33 : vector<512x128xf32>
    %swap3A = arith.constant 0 : index
    %swap3A_35 = arith.constant 0 : index
    %swap3A_36 = vector.load %arg7[%swap3A, %swap3A_35] : memref<512x128xf32, #tpu.memory_space<vmem>>, vector<512x128xf32>
    tpu.vector_store %arg7[%swap3A, %swap3A_35], %mul3A_34 {strides = array<i32>} : memref<512x128xf32, #tpu.memory_space<vmem>>, vector<512x128xf32>,
    return
  }
  func.func @transform_0(%arg0: i32) -> (i32, i32, i32) {
    %c0_i32 = arith.constant 0 : i32
    %c0_i32_0 = arith.constant 0 : i32
    %c0_i32_1 = arith.constant 0 : i32
    return %c0_i32, %arg0, %c0_i32_0 : i32, i32, i32
  }
  func.func @transform_1(%arg0: i32) -> (i32, i32) {
    %c0_i32 = arith.constant 0 : i32
    %c0_i32_0 = arith.constant 0 : i32
    return %arg0, %c0_i32 : i32, i32
  }
  func.func @transform_2(%arg0: i32) -> (i32, i32) {
    %c0_i32 = arith.constant 0 : i32
    %c0_i32_0 = arith.constant 0 : i32
    return %arg0, %c0_i32 : i32, i32
  }
  func.func @transform_3(%arg0: i32) -> (i32, i32) {
    %c0_i32 = arith.constant 0 : i32
    %c0_i32_0 = arith.constant 0 : i32
    %c0_i32_1 = arith.constant 0 : i32
    return %c0_i32, %c0_i32_0 : i32, i32
  }
  func.func @transform_4(%arg0: i32) -> (i32, i32) {
    %c0_i32 = arith.constant 0 : i32
    %c0_i32_0 = arith.constant 0 : i32
    %c0_i32_1 = arith.constant 0 : i32
    return %c0_i32, %c0_i32_0 : i32, i32
  }
  func.func @transform_5(%arg0: i32) -> (i32, i32) {
    %c0_i32 = arith.constant 0 : i32
    %c0_i32_0 = arith.constant 0 : i32
    %c0_i32_1 = arith.constant 0 : i32
    return %c0_i32, %c0_i32_0 : i32, i32
  }
  func.func @transform_6(%arg0: i32) -> (i32, i32) {
    %c0_i32 = arith.constant 0 : i32
    %c0_i32_0 = arith.constant 0 : i32
    return %arg0, %c0_i32 : i32, i32
  }
}

module attributes {stable_mosaic.version = 14 : i64} {
  func.func @body(%arg0: i32, %arg1: memref<2x512x128xf32, #tpu.memory_space<vmem>>, %arg2: memref<512x128xf32, #tpu.memory_space<vmem>>, %arg3: memref<512x1xf32, #tpu.memory_space<vmem>>, %arg4: memref<1x128xf32, #tpu.memory_space<vmem>>, %arg5: memref<1x128xf32, #tpu.memory_space<vmem>>, %arg6: memref<512x128xf32, #tpu.memory_space<vmem>>) attributes {dimension_semantics = [#tpu.dimension_semantics<arbitrary>], iteration_bounds = array<i64: 20>, scalar_prefetch = 0 : i64, scratch_operands = 0 : i64, tpu.core_type = #tpu.core_type<tc>, window_params = [{transform_indices = @transform_0, window_bounds = array<i64: 2, 512, 128>}, {transform_indices = @transform_1, window_bounds = array<i64: 512, 128>}, {transform_indices = @transform_2, window_bounds = array<i64: 512, 1>}, {pipeline_mode = #tpu.pipeline_mode<synchronous>, transform_indices = @transform_3, window_bounds = array<i64: 1, 128>}, {pipeline_mode = #tpu.pipeline_mode<synchronous>, transform_indices = @transform_4, window_bounds = array<i64: 1, 128>}, {transform_indices = @transform_5, window_bounds = array<i64: 512, 128>}]} {
    %get3A = arith.constant 0 : index
    %get3A_0 = arith.constant 0 : index
    %get3A_1 = vector.load %arg3[%get3A, %get3A_0] : memref<512x1xf32, #tpu.memory_space<vmem>>, vector<512x1xf32>
    %rsqrt3A = math.rsqrt %get3A_1 : vector<512x1xf32>
    %get3A_2 = arith.constant 0 : index
    %get3A_3 = arith.constant 0 : index
    %get3A_4 = arith.constant 0 : index
    %get3A_5 = vector.load %arg1[%get3A_2, %get3A_3, %get3A_4] : memref<2x512x128xf32, #tpu.memory_space<vmem>>, vector<1x512x128xf32>
    %get3A_6 = vector.shape_cast %get3A_5 : vector<1x512x128xf32> to vector<512x128xf32>
    %get3A_7 = arith.constant 1 : index
    %get3A_8 = arith.constant 0 : index
    %get3A_9 = arith.constant 0 : index
    %get3A_10 = vector.load %arg1[%get3A_7, %get3A_8, %get3A_9] : memref<2x512x128xf32, #tpu.memory_space<vmem>>, vector<1x512x128xf32>
    %get3A_11 = vector.shape_cast %get3A_10 : vector<1x512x128xf32> to vector<512x128xf32>
    %add3A = arith.addf %get3A_6, %get3A_11 : vector<512x128xf32>
    %get3A_12 = arith.constant 0 : index
    %get3A_13 = arith.constant 0 : index
    %get3A_14 = vector.load %arg2[%get3A_12, %get3A_13] : memref<512x128xf32, #tpu.memory_space<vmem>>, vector<512x128xf32>
    %add3A_15 = arith.addf %add3A, %get3A_14 : vector<512x128xf32>
    %mul3A = vector.broadcast %rsqrt3A : vector<512x1xf32> to vector<512x128xf32>
    %mul3A_16 = arith.mulf %add3A_15, %mul3A : vector<512x128xf32>
    %get3A_17 = arith.constant 0 : index
    %get3A_18 = arith.constant 0 : index
    %get3A_19 = vector.load %arg4[%get3A_17, %get3A_18] : memref<1x128xf32, #tpu.memory_space<vmem>>, vector<1x128xf32>
    %add3A_20 = vector.broadcast %get3A_19 : vector<1x128xf32> to vector<512x128xf32>
    %add3A_21 = arith.addf %mul3A_16, %add3A_20 : vector<512x128xf32>
    %gt3A = arith.constant 0.000000e+00 : f32
    %gt3A_22 = vector.broadcast %gt3A : f32 to vector<512x128xf32>
    %gt3A_23 = arith.cmpf ogt, %add3A_21, %gt3A_22 : vector<512x128xf32>
    %get3A_24 = arith.constant 0 : index
    %get3A_25 = arith.constant 0 : index
    %get3A_26 = vector.load %arg5[%get3A_24, %get3A_25] : memref<1x128xf32, #tpu.memory_space<vmem>>, vector<1x128xf32>
    %mul3A_27 = vector.broadcast %get3A_26 : vector<1x128xf32> to vector<512x128xf32>
    %mul3A_28 = arith.mulf %mul3A_27, %add3A_21 : vector<512x128xf32>
    %select_n3A = arith.select %gt3A_23, %add3A_21, %mul3A_28 : vector<512x128xi1>, vector<512x128xf32>
    %swap3A = arith.constant 0 : index
    %swap3A_29 = arith.constant 0 : index
    %swap3A_30 = vector.load %arg6[%swap3A, %swap3A_29] : memref<512x128xf32, #tpu.memory_space<vmem>>, vector<512x128xf32>
    tpu.vector_store %arg6[%swap3A, %swap3A_29], %select_n3A {strides = array<i32>} : memref<512x128xf32, #tpu.memory_space<vmem>>, vector<512x128xf32>,
    return
  }
  func.func @transform_0(%arg0: i32) -> (i32, i32, i32) {
    %c0_i32 = arith.constant 0 : i32
    %c0_i32_0 = arith.constant 0 : i32
    %c0_i32_1 = arith.constant 0 : i32
    return %c0_i32, %arg0, %c0_i32_0 : i32, i32, i32
  }
  func.func @transform_1(%arg0: i32) -> (i32, i32) {
    %c0_i32 = arith.constant 0 : i32
    %c0_i32_0 = arith.constant 0 : i32
    return %arg0, %c0_i32 : i32, i32
  }
  func.func @transform_2(%arg0: i32) -> (i32, i32) {
    %c0_i32 = arith.constant 0 : i32
    %c0_i32_0 = arith.constant 0 : i32
    return %arg0, %c0_i32 : i32, i32
  }
  func.func @transform_3(%arg0: i32) -> (i32, i32) {
    %c0_i32 = arith.constant 0 : i32
    %c0_i32_0 = arith.constant 0 : i32
    %c0_i32_1 = arith.constant 0 : i32
    return %c0_i32, %c0_i32_0 : i32, i32
  }
  func.func @transform_4(%arg0: i32) -> (i32, i32) {
    %c0_i32 = arith.constant 0 : i32
    %c0_i32_0 = arith.constant 0 : i32
    %c0_i32_1 = arith.constant 0 : i32
    return %c0_i32, %c0_i32_0 : i32, i32
  }
  func.func @transform_5(%arg0: i32) -> (i32, i32) {
    %c0_i32 = arith.constant 0 : i32
    %c0_i32_0 = arith.constant 0 : i32
    return %arg0, %c0_i32 : i32, i32
  }
}

</mosaic_0001>

<sc_bundles>
// kernel: kernel.11.cloned.1.call-start
scs
__scs_entry_jumppad:
0x0: {  	(pc) =	sbr.rel $0x88, $3  }
0x1: {  	(tag) =	ssettag $0x0;
	lr =	simm.s32 $0x1  }
0x2: {  	[smem:$0x3F99] =	sst lr;
	_ =	strace $0xD0000000  }
0x3: {  	_ = 	snop  }
0x4: {  	_ = 	snop  }
0x5: {  	_ = 	snop  }
0x6: {  	_ = 	snop  }
0x7: {  	_ = 	snop  }
__scs_overlays_trampoline_lowered:
0x8: {  	[smem:$0x3FA8] =	sst s0  }
0x9: {  	[smem:$0x3FA9] =	sst s1  }
0xa: {  	[smem:$0x3FAA] =	sst s2  }
0xb: {  	[smem:$0x3FAB] =	sst s3  }
0xc: {  	[smem:$0x3FAC] =	sst s4  }
0xd: {  	[smem:$0x3FAD] =	sst s5  }
0xe: {  	[smem:$0x3FAE] =	sst s6  }
0xf: {  	[smem:$0x3FAF] =	sst s7  }
0x10: {  	[smem:$0x3FB0] =	sst s8  }
0x11: {  	[smem:$0x3FB1] =	sst s9;
	s0 =	simm.s32 @!p0 $0x0  }
0x12: {  	s1 =	sld [smem:$0x3F97];
	s0 =	simm.s32 @p0 $0x1  }
0x13: {  	[smem:$0x3FB2] =	sst s0;
	s0 =	simm.s32 @!p1 $0x0  }
0x14: {  	s2 =	sld [smem:$0x3F96];
	s0 =	simm.s32 @p1 $0x1  }
0x15: {  	[smem:$0x3FB3] =	sst s0;
	s0 =	simm.s32 @!p2 $0x0  }
0x16: {  	s3 =	sld [smem:$0x3FDB];
	s0 =	simm.s32 @p2 $0x1  }
0x17: {  	s4 =	simm.s32 $0x1BF5;
	[smem:$0x3FB5] =	sst s0  }
0x18: {  	s0 =	sld [smem:$0x3F98];
	_ =	swait.ge [sflag:s4], $0x0  }
0x19: {  	s7 =	sld [smem:$0x3F99]  }
0x1a: {  	s8 =	sadd.s32 $0xFFFFE003, lr  }
0x1b: {  	s9 =	sadd.s32 $0xFFFFFEF7, lr;
	s5 =	simm.s32 $0xFFFFFFFF;
	p2 =	slt.u32 s8, $0xFFFFF086  }
0x1c: {  	p1 =	slt.u32 s9, $0xF7A;
	s5 =	simm.s32 @!p2 $0x0  }
0x1d: {  	s5 =	simm.s32 @p1 $0x1;
	p0 =	seq.s32 s7, s2  }
0x1e: {  	s7 =	smul.u32 @!p0 $0xF7A, s2;
	p2 =	seq.s32 @!p0 s5, $0x0  }
0x1f: {  	s9 =	smul.u32 $0xF7A, s1;
	s8 =	simm.s32 @!p0 $0x1BF5;
	p2 =	por !p2, p0  }
0x20: {  	[sflag:s8] =	ssyncset.s32 @!p0 $0xFFFFF086;
	s6 =	sadd.s32 @!p0 s3, s7;
	s7 =	simm.s32 @!p0 $0x108  }
0x21: {  	s3 =	sadd.s32 s3, s9;
	s6 =	sadd.s32 @!p0 $0x88, s6;
	s7 =	simm.s32 @p2 $0x1082  }
0x22: {  	[simem:s7], [sflag:s8] =	dma.local @!p0 [hbm:s6], $0xF7A  }
0x23: {  	s9 =	sor.u32 $0xD0000000, s2;
	s6 =	simm.s32 $0x108;
	_ =	swait.ge @!p0 [sflag:s8], $0x0  }
0x24: {  	s3 =	sadd.s32 $0x88, s3;
	s6 =	simm.s32 @!p1 $0x1082;
	[sflag:s4] =	ssyncset.s32 $0xFFFFF086  }
0x25: {  	[simem:s6], [sflag:s4] =	dma.local [hbm:s3], $0xF7A  }
0x26: {  	[smem:$0x3F99] =	sst s1;
	(tag) =	ssettag s2;
	_ =	strace s9  }
0x27: {  	s1 =	sld [smem:$0x3FA9]  }
0x28: {  	s2 =	sld [smem:$0x3FAA]  }
0x29: {  	s4 =	sld [smem:$0x3FAC]  }
0x2a: {  	p0 =	seq.s32 s5, $0x0;
	s5 =	sld [smem:$0x3FAD]  }
0x2b: {  	s6 =	sld [smem:$0x3FAE]  }
0x2c: {  	s7 =	sld [smem:$0x3FAF]  }
0x2d: {  	s3 =	simm.s32 $0x108;
	s8 =	sld [smem:$0x3FB0]  }
0x2e: {  	s3 =	simm.s32 @!p0 $0x1082;
	s9 =	sld [smem:$0x3FB1]  }
0x2f: {  	lr =	sadd.s32 s0, s3;
	s0 =	sld [smem:$0x3FA8]  }
0x30: {  	s3 =	sld [smem:$0x3FAB]  }
0x31: {  	[smem:$0x3FB4] =	sst s10  }
0x32: {  	s10 =	sld [smem:$0x3FB2];
	_ =	sdelay $0x3  }
0x33: {  	p0 =	seq.s32 s10, $0x1;
	s10 =	sld [smem:$0x3FB4];
	_ =	sdelay $0x3  }
0x34: {  	[smem:$0x3FB4] =	sst s10  }
0x35: {  	s10 =	sld [smem:$0x3FB3];
	_ =	sdelay $0x3  }
0x36: {  	p1 =	seq.s32 s10, $0x1;
	s10 =	sld [smem:$0x3FB4];
	_ =	sdelay $0x3  }
0x37: {  	[smem:$0x3FB4] =	sst s10  }
0x38: {  	s10 =	sld [smem:$0x3FB5]  }
0x39: {  	_ = 	snop;
	(pc) =	sbr.ind lr, $3  }
0x3a: {  	_ = 	snop  }
0x3b: {  	_ = 	snop  }
0x3c: {  	p2 =	seq.s32 s10, $0x1;
	s10 =	sld [smem:$0x3FB4]  }
0x3d: {  	_ =	shalt  }
0x3e: {  	_ =	shalt  }
0x3f: {  	_ =	shalt  }
0x40: {  	_ =	shalt  }
0x41: {  	_ =	shalt  }
0x42: {  	_ =	shalt  }
0x43: {  	_ =	shalt  }
0x44: {  	_ =	shalt  }
0x45: {  	_ =	shalt  }
0x46: {  	_ =	shalt  }
0x47: {  	_ =	shalt  }
0x48: {  	_ =	shalt  }
0x49: {  	_ =	shalt  }
0x4a: {  	_ =	shalt  }
0x4b: {  	_ =	shalt  }
0x4c: {  	_ =	shalt  }
0x4d: {  	_ =	shalt  }
0x4e: {  	_ =	shalt  }
0x4f: {  	_ =	shalt  }
0x50: {  	_ =	shalt  }
0x51: {  	_ =	shalt  }
0x52: {  	_ =	shalt  }
0x53: {  	_ =	shalt  }
0x54: {  	_ =	shalt  }
0x55: {  	_ =	shalt  }
0x56: {  	_ =	shalt  }
0x57: {  	_ =	shalt  }
0x58: {  	_ =	shalt  }
0x59: {  	_ =	shalt  }
0x5a: {  	_ =	shalt  }
0x5b: {  	_ =	shalt  }
0x5c: {  	_ =	shalt  }
0x5d: {  	_ =	shalt  }
0x5e: {  	_ =	shalt  }
0x5f: {  	_ =	shalt  }
0x60: {  	_ =	shalt  }
0x61: {  	_ =	shalt  }
0x62: {  	_ =	shalt  }
0x63: {  	_ =	shalt  }
0x64: {  	_ =	shalt  }
0x65: {  	_ =	shalt  }
0x66: {  	_ =	shalt  }
0x67: {  	_ =	shalt  }
0x68: {  	_ =	shalt  }
0x69: {  	_ =	shalt  }
0x6a: {  	_ =	shalt  }
0x6b: {  	_ =	shalt  }
0x6c: {  	_ =	shalt  }
0x6d: {  	_ =	shalt  }
0x6e: {  	_ =	shalt  }
0x6f: {  	_ =	shalt  }
0x70: {  	_ =	shalt  }
0x71: {  	_ =	shalt  }
0x72: {  	_ =	shalt  }
0x73: {  	_ =	shalt  }
0x74: {  	_ =	shalt  }
0x75: {  	_ =	shalt  }
0x76: {  	_ =	shalt  }
0x77: {  	_ =	shalt  }
0x78: {  	_ =	shalt  }
0x79: {  	_ =	shalt  }
0x7a: {  	_ =	shalt  }
0x7b: {  	_ =	shalt  }
0x7c: {  	_ =	shalt  }
0x7d: {  	_ =	shalt  }
0x7e: {  	_ =	shalt  }
0x7f: {  	_ =	shalt  }
0x80: {  	_ =	shalt  }
0x81: {  	_ =	shalt  }
0x82: {  	_ =	shalt  }
0x83: {  	_ =	shalt  }
0x84: {  	_ =	shalt  }
0x85: {  	_ =	shalt  }
0x86: {  	_ =	shalt  }
0x87: {  	_ =	shalt  }
.Lfunc_end0:
.L_simem_size_0:
called_computation.1_lowered:
.L_overlay_start_0:
0x88: {  	s2 =	sld [smem:$0x3FD9]  }
0x89: {  	s3 =	sld [smem:$0x3FFE];
	_ =	sdelay $0x1  }
0x8a: {  	s1 =	srdreg.scid  }
0x8b: {  	s0 =	sand.u32 $0x1, s1  }
0x8c: {  	s17 =	sshll.u32 s0, $0xA;
	s2 =	sadd.s32 s3, s2  }
0x8d: {  	s2 =	sadd.s32 s2, s17  }
0x8e: {  	[smem:$0x3FC0] =	sst s2  }
0x8f: {  	_ = 	snop  }
0x90: {  	s2 =	sld [smem:$0x3FD0];
	(tm) =	ssettm $0x1  }
0x91: {  	s18 =	sld [smem:$0x3FFB];
	_ =	sdelay $0x3  }
0x92: {  	_ =	strace s18  }
0x93: {  	s3 =	sld [smem:$0x3FFC];
	_ =	sdelay $0x3  }
0x94: {  	_ =	strace s3  }
0x95: {  	s3 =	sld [smem:$0x3FFD];
	_ =	sdelay $0x3  }
0x96: {  	_ =	strace s3  }
0x97: {  	_ =	strace $0x8FFFFFFF  }
0x98: {  	s19 =	sld [smem:$0x3FDB];
	_ =	sdelay $0x1  }
0x99: {  	s4 =	simm.s32 $_scs_section_size  }
0x9a: {  	s5 =	simm.s32 $_size__tile_overlayer_lowered;
	s6 =	simm.s32 $_tile_overlayer_lowered  }
0x9b: {  	s22 =	simm.s32 $0x1BFF;
	s21 =	sshll.u32 s6, $0x1;
	s3 =	sadd.s32 s4, s19  }
0x9c: {  	s7 =	simm.s32 $0x0;
	s20 =	sshll.u32 s5, $0x1;
	s5 =	sadd.s32 s21, s3  }
0x9d: {  	[timem:s7], [sflag:s22] =	dma.local [hbm:s5], s20  }
0x9e: {  	_ =	swait.ge [sflag:s22], s20  }
0x9f: {  	s4 =	ssub.s32 $0x0, s20;
	[sflag:s22] =	ssyncset.done $0x0  }
0xa0: {  	[sflag:s22] =	ssyncadd.s32 s4;
	_ =	sdelay $0x1  }
0xa1: {  	s23 =	simm.s32 $0x1B8B  }
0xa2: {  	_ =	swait.ge [sflag:s23], $0x1  }
0xa3: {  	[sflag:s23] =	ssyncset.done $0x0  }
0xa4: {  	s25 =	simm.s32 $0x1B8E;
	s24 =	sld [smem:$0x3FFE];
	[sflag:s23] =	ssyncadd.s32 $0xFFFFFFFF  }
0xa5: {  	s26 =	simm.s32 $execute0_lowered;
	[smem:$0x3FD2] =	sst s25  }
0xa6: {  	s5 =	sshll.u32 s26, $0x1;
	_ =	strace $0x80000049;
	[dreg:$0x1] =	wrdreg $0xFFFFFFFF  }
0xa7: {  	s28 =	simm.s32 $_size_execute0_lowered;
	s3 =	sadd.s32 s3, s5;
	[dreg:$0x0] =	wrdreg $0x0  }
0xa8: {  	s5 =	sshll.u32 s28, $0x1;
	[dreg:$0x2] =	wrdreg s3  }
0xa9: {  	[dreg:$0x3] =	wrdreg s5  }
0xaa: {  	[dreg:$0x4] =	wrdreg $0xC0  }
0xab: {  	_ =	task [dreg:s7], $0x5FFFF  }
0xac: {  	[dreg:$0x1] =	wrdreg $0xFFFFFFFF  }
0xad: {  	[dreg:$0x0] =	wrdreg $0x60  }
0xae: {  	[dreg:$0x2] =	wrdreg s24  }
0xaf: {  	[dreg:$0x3] =	wrdreg s2  }
0xb0: {  	[dreg:$0x4] =	wrdreg $0x88000  }
0xb1: {  	[dreg:$0x5] =	wrdreg $0x9  }
0xb2: {  	_ =	task.clear_ibuf [dreg:s7], $0x6FFFF;
	_ =	strace $0x90000049  }
0xb3: {  	s29 =	simm.s32 $0x9;
	_ =	strace $0x8000004B  }
0xb4: {  	_ =	swait.ge [sflag:s29], $0x1  }
0xb5: {  	[sflag:s29] =	ssyncadd.s32 $0xFFFFFFFF  }
0xb6: {  	_ =	strace $0x9000004B  }
0xb7: {  	_ =	sfence  }
0xb8: {  	s30 =	sld [smem:$0x0];
	_ =	sdelay $0x2  }
0xb9: {  	s31 =	sshll.u32 s1, $0xD;
	s1 =	sshrl.u32 s1, $0x2  }
0xba: {  	s3 =	sand.u32 $0x4000, s31;
	s1 =	sadd.s32 s1, s30  }
0xbb: {  	s0 =	sor.u32 s3, s0;
	s1 =	sshll.u32 s1, $0x11  }
0xbc: {  	s0 =	sor.u32 s1, s0  }
0xbd: {  	s0 =	sadd.s32 $0x8F2B, s0  }
0xbe: {  	[sflag:s0] =	ssyncadd.remote.s32 $0x1  }
0xbf: {  	_ =	sfence.sel $0xFFFF  }
0xc0: {  	[dreg:$0x0] =	wrdreg $0xFFFFFFFF;
	(pc) =	sbr.abs _section_cstart, $3  }
0xc1: {  	[dreg:$0x1] =	wrdreg $0xFFFFFFFF  }
0xc2: {  	_ =	task.clear_ibuf [dreg:s7], $0x2FFFF;
	_ =	strace $0x9FFFFFFF  }
0xc3: {  	(tm) =	ssettm $0x7FFFFFFF  }
tec
execute0_lowered:
.L_overlay_start_1:
0x0: {  	(tag) =	ssettag $0x1  }
0x1: {  	s0 =	rddreg [dreg:$0x0]  }
0x2: {  	s1 =	rddreg [dreg:$0x1]  }
0x3: {  	s2 =	rddreg [dreg:$0x2];
	s3 =	simm.s32 $0x0  }
0x4: {  	s12 =	stileid.u32;
	s4 =	srdreg.scid;
	s13 =	simm.s32 $0x5  }
0x5: {  	s14 =	simm.s32 $0x400;
	s15 =	simm.s32 $0x80;
	s16 =	simm.s32 $0x800  }
0x6: {  	s17 =	simm.s32 $0x4800;
	s28 =	simm.s32 $0x580;
	s29 =	simm.s32 $0x280  }
0x7: {  	s30 =	simm.s32 $0x600;
	s31 =	simm.s32 $0x300;
	[smem:$0x7FF] =	sst s3  }
0x8: {  	s5 =	smul.u32 $0x14000, s12;
	s6 =	sand.u32 $0x1, s4;
	s4 =	sadd.s32 $0xC200, s0  }
0x9: {  	s8 =	sadd.s32 $0x2200, s0;
	s10 =	smul.u32 $0x50000, s12;
	s21 =	sshll.u32 s12, $0x7  }
0xa: {  	s22 =	sshll.u32 s12, $0x6;
	s23 =	smul.u32 $0x980, s12;
	_ =	strace $0x8000004A  }
0xb: {  	s7 =	smul.u32 $0x140000, s6;
	s18 =	ssub.s32 $0x2, s6;
	p0 =	seq.s32 s6, $0x1  }
0xc: {  	s9 =	sshrl.u32 s5, $0x3;
	s11 =	sshrl.u32 s18, $0x1;
	s20 =	sshrl.u32 s10, $0x2  }
0xd: {  	s10 =	sor.u32 $0x1C05, s22;
	s26 =	sadd.s32 s23, s8;
	s22 =	simm.s32 $0x480  }
0xe: {  	s5 =	sadd.s32 s5, s7;
	s9 =	sadd.s32 s9, s0;
	s19 =	ssub.s32 s18, s11  }
0xf: {  	s7 =	sadd.s32 s20, s2;
	[dreg:$0x4] =	wrdreg s26;
	s11 =	sadd.s32 s23, s1  }
0x10: {  	s18 =	simm.s32 $0x1;
	s20 =	simm.s32 $0x100;
	s23 =	simm.s32 $0x4  }
0x11: {  	s26 =	simm.s32 $0x200;
	[dreg:$0x6] =	wrdreg s10;
	s5 =	sshrl.u32 s5, $0x3  }
0x12: {  	s9 =	sadd.s32 $0x34200, s9;
	s12 =	sshrl.u32 s7, $0x3;
	s7 =	simm.s32 $0x700  }
0x13: {  	s0 =	sadd.s32 s5, s0;
	[dreg:$0x5] =	wrdreg s9;
	s9 =	sor.u32 $0x9800, s21  }
0x14: {  	s21 =	simm.s32 $0x2;
	s5 =	simm.s32 $0x0;
	[dreg:$0xb] =	wrdreg s12  }
.Ltmp0:
0x15: {  	s24 =	sadd.s32 s1, s9;
	s25 =	sadd.s32 s8, s9;
	(pc) =	sbr.rel .LBB2_1-.Ltmp0, $4  }
0x16: {  	s6 =	sadd.s32 $0x5C200, s0;
	s9 =	smax.u32 s19, $0x1;
	[dreg:$0x7] =	wrdreg s24  }
0x17: {  	s19 =	simm.s32 $0x3;
	s0 =	simm.s32 $0x680;
	[dreg:$0x8] =	wrdreg s25  }
0x18: {  	s1 =	simm.s32 $0x380;
	s8 =	simm.s32 $0x780;
	[dreg:$0x9] =	wrdreg s6  }
0x19: {  	s24 =	simm.s32 $0x180;
	s25 =	simm.s32 $0x500;
	[dreg:$0xa] =	wrdreg s9  }
.LBB2_5:
0x1a: {  	s5 =	rddreg [dreg:$0x7]  }
0x1b: {  	[tilespmem:s3], [sflag:$0x5] =	stream.linear.gather [hbm4b:s5+s3], $0x400, $0x38;
	[tilespmem:$0x1C800] =	vst v63  }
0x1c: {  	_ =	swait.ge [sflag:s13], $0x400  }
0x1d: {  	[sflag:s13] =	ssyncset.done $0x0  }
0x1e: {  	s5 =	rddreg [dreg:$0x8];
	[sflag:s13] =	ssyncadd.s32 $0xFFFFFC00  }
0x1f: {  	[tilespmem:s14], [sflag:$0x5] =	stream.linear.gather [hbm4b:s5+s3], $0x400, $0x38;
	[tilespmem:$0x1C800] =	vst v63  }
0x20: {  	_ =	swait.ge [sflag:s13], $0x400  }
0x21: {  	[sflag:s13] =	ssyncset.done $0x0  }
0x22: {  	[sflag:s13] =	ssyncadd.s32 $0xFFFFFC00  }
0x23: {  	[tilespmem:s16], [sflag:$0x1] =	stream.indirect.gather [hbm4b:s4+s15], $0x80, s3, s15, $0xb8;
	[tilespmem:$0x1C800] =	vst v63  }
0x24: {  	_ = 	snop  }
0x25: {  	[tilespmem:s17], [sflag:$0x2] =	stream.indirect.gather [hbm4b:s4+s15], $0x80, s15, s15, $0xb8;
	[tilespmem:$0x1C800] =	vst v63  }
0x26: {  	_ =	swait.ge [sflag:s18], $0x4000  }
0x27: {  	[sflag:s18] =	ssyncset.done $0x0  }
0x28: {  	[sflag:s18] =	ssyncadd.s32 $0xFFFFC000  }
0x29: {  	[spmem:s2] =	stream.indirect.scatter.add.f32 [tilespmem:s16], [sflag:$0x3], $0x80, s14, s15, $0xb8;
	[tilespmem:$0x1C800] =	vst v63  }
0x2a: {  	_ =	swait.ge [sflag:s19], $0x4000  }
0x2b: {  	[sflag:s19] =	ssyncset.done $0x0  }
0x2c: {  	[sflag:s19] =	ssyncadd.s32 $0xFFFFC000  }
0x2d: {  	[tilespmem:s16], [sflag:$0x1] =	stream.indirect.gather [hbm4b:s4+s15], $0x80, s20, s15, $0xb8;
	[tilespmem:$0x1C800] =	vst v63  }
0x2e: {  	_ =	swait.ge [sflag:s21], $0x4000  }
0x2f: {  	[sflag:s21] =	ssyncset.done $0x0  }
0x30: {  	[sflag:s21] =	ssyncadd.s32 $0xFFFFC000  }
0x31: {  	[spmem:s2] =	stream.indirect.scatter.add.f32 [tilespmem:s17], [sflag:$0x4], $0x80, s22, s15, $0xb8;
	[tilespmem:$0x1C800] =	vst v63  }
0x32: {  	_ =	swait.ge [sflag:s23], $0x4000  }
0x33: {  	[sflag:s23] =	ssyncset.done $0x0  }
0x34: {  	[sflag:s23] =	ssyncadd.s32 $0xFFFFC000  }
0x35: {  	[tilespmem:s17], [sflag:$0x2] =	stream.indirect.gather [hbm4b:s4+s15], $0x80, s24, s15, $0xb8;
	[tilespmem:$0x1C800] =	vst v63  }
0x36: {  	_ =	swait.ge [sflag:s18], $0x4000  }
0x37: {  	[sflag:s18] =	ssyncset.done $0x0  }
0x38: {  	[sflag:s18] =	ssyncadd.s32 $0xFFFFC000  }
0x39: {  	[spmem:s2] =	stream.indirect.scatter.add.f32 [tilespmem:s16], [sflag:$0x3], $0x80, s25, s15, $0xb8;
	[tilespmem:$0x1C800] =	vst v63  }
0x3a: {  	_ =	swait.ge [sflag:s19], $0x4000  }
0x3b: {  	[sflag:s19] =	ssyncset.done $0x0  }
0x3c: {  	[sflag:s19] =	ssyncadd.s32 $0xFFFFC000  }
0x3d: {  	[tilespmem:s16], [sflag:$0x1] =	stream.indirect.gather [hbm4b:s4+s15], $0x80, s26, s15, $0xb8;
	[tilespmem:$0x1C800] =	vst v63  }
0x3e: {  	_ =	swait.ge [sflag:s21], $0x4000  }
0x3f: {  	[sflag:s21] =	ssyncset.done $0x0  }
0x40: {  	[sflag:s21] =	ssyncadd.s32 $0xFFFFC000  }
0x41: {  	[spmem:s2] =	stream.indirect.scatter.add.f32 [tilespmem:s17], [sflag:$0x4], $0x80, s28, s15, $0xb8;
	[tilespmem:$0x1C800] =	vst v63  }
0x42: {  	_ =	swait.ge [sflag:s23], $0x4000  }
0x43: {  	[sflag:s23] =	ssyncset.done $0x0  }
0x44: {  	[sflag:s23] =	ssyncadd.s32 $0xFFFFC000  }
0x45: {  	[tilespmem:s17], [sflag:$0x2] =	stream.indirect.gather [hbm4b:s4+s15], $0x80, s29, s15, $0xb8;
	[tilespmem:$0x1C800] =	vst v63  }
0x46: {  	_ =	swait.ge [sflag:s18], $0x4000  }
0x47: {  	[sflag:s18] =	ssyncset.done $0x0  }
0x48: {  	[sflag:s18] =	ssyncadd.s32 $0xFFFFC000  }
0x49: {  	[spmem:s2] =	stream.indirect.scatter.add.f32 [tilespmem:s16], [sflag:$0x3], $0x80, s30, s15, $0xb8;
	[tilespmem:$0x1C800] =	vst v63  }
0x4a: {  	_ =	swait.ge [sflag:s19], $0x4000  }
0x4b: {  	[sflag:s19] =	ssyncset.done $0x0  }
0x4c: {  	[sflag:s19] =	ssyncadd.s32 $0xFFFFC000  }
0x4d: {  	[tilespmem:s16], [sflag:$0x1] =	stream.indirect.gather [hbm4b:s4+s15], $0x80, s31, s15, $0xb8;
	[tilespmem:$0x1C800] =	vst v63  }
0x4e: {  	_ =	swait.ge [sflag:s21], $0x4000  }
0x4f: {  	[sflag:s21] =	ssyncset.done $0x0  }
0x50: {  	[sflag:s21] =	ssyncadd.s32 $0xFFFFC000  }
0x51: {  	[spmem:s2] =	stream.indirect.scatter.add.f32 [tilespmem:s17], [sflag:$0x4], $0x80, s0, s15, $0xb8;
	[tilespmem:$0x1C800] =	vst v63  }
0x52: {  	_ =	swait.ge [sflag:s23], $0x4000  }
0x53: {  	[sflag:s23] =	ssyncset.done $0x0  }
0x54: {  	[sflag:s23] =	ssyncadd.s32 $0xFFFFC000  }
0x55: {  	[tilespmem:s17], [sflag:$0x2] =	stream.indirect.gather [hbm4b:s4+s15], $0x80, s1, s15, $0xb8;
	[tilespmem:$0x1C800] =	vst v63  }
0x56: {  	_ =	swait.ge [sflag:s18], $0x4000  }
0x57: {  	[sflag:s18] =	ssyncset.done $0x0  }
0x58: {  	[sflag:s18] =	ssyncadd.s32 $0xFFFFC000  }
0x59: {  	[spmem:s2] =	stream.indirect.scatter.add.f32 [tilespmem:s16], [sflag:$0x3], $0x80, s7, s15, $0xb8;
	[tilespmem:$0x1C800] =	vst v63  }
0x5a: {  	_ =	swait.ge [sflag:s19], $0x4000  }
0x5b: {  	[sflag:s19] =	ssyncset.done $0x0  }
0x5c: {  	[sflag:s19] =	ssyncadd.s32 $0xFFFFC000  }
0x5d: {  	_ =	swait.ge [sflag:s21], $0x4000  }
0x5e: {  	[sflag:s21] =	ssyncset.done $0x0  }
0x5f: {  	[sflag:s21] =	ssyncadd.s32 $0xFFFFC000  }
0x60: {  	[spmem:s2] =	stream.indirect.scatter.add.f32 [tilespmem:s17], [sflag:$0x4], $0x80, s8, s15, $0xb8;
	[tilespmem:$0x1C800] =	vst v63  }
0x61: {  	_ =	swait.ge [sflag:s23], $0x4000  }
0x62: {  	[sflag:s23] =	ssyncset.done $0x0  }
0x63: {  	s5 =	rddreg [dreg:$0xc];
	[sflag:s23] =	ssyncadd.s32 $0xFFFFC000  }
.LBB2_6:
0x64: {  	s5 =	sadd.s32 $0x1, s5  }
0x65: {  	p1 =	sne.s32 s5, s9  }
.Ltmp1:
0x66: {  	[bflag:$0x0] =	sbarrier.arrive $0xFFFF;
	(pc) =	sbr.rel @!p1 .LBB2_7-.Ltmp1, $4  }
0x67: {  	[hbm:s6], [sflag:s10] =	dma.local [spmem:s12], $0x2800  }
0x68: {  	_ =	swait.ge [sflag:s13], $0x2800  }
0x69: {  	[sflag:s13] =	ssyncset.done $0x0  }
0x6a: {  	[sflag:s13] =	ssyncadd.s32 $0xFFFFD800  }
.LBB2_1:
0x6b: {  	[dreg:$0xc] =	wrdreg s5  }
0x6c: {  	s5 =	rddreg [dreg:$0x5]  }
0x6d: {  	[spmem:s12], [sflag:s10] =	dma.local [hbm:s5], $0x2800  }
.Ltmp2:
0x6e: {  	_ =	swait.ge [sflag:s13], $0x2800;
	(pc) =	sbr.rel @p0 .LBB2_5-.Ltmp2, $3  }
0x6f: {  	[sflag:s13] =	ssyncset.done $0x0  }
0x70: {  	[sflag:s13] =	ssyncadd.s32 $0xFFFFD800  }
0x71: {  	[bflag:$0x0] =	sbarrier.arrive $0xFFFF;
	_ =	sdelay $0x1  }
0x72: {  	s6 =	sadd.s32 $0x0, s11  }
0x73: {  	[tilespmem:s3], [sflag:$0x5] =	stream.linear.gather [hbm4b:s6+s3], $0x400, $0x38;
	[tilespmem:$0x1C800] =	vst v63  }
0x74: {  	_ =	swait.ge [sflag:s13], $0x400  }
0x75: {  	s12 =	rddreg [dreg:$0x4];
	[sflag:s13] =	ssyncset.done $0x0  }
0x76: {  	[sflag:s13] =	ssyncadd.s32 $0xFFFFFC00;
	s6 =	sadd.s32 $0x0, s12  }
0x77: {  	[tilespmem:s14], [sflag:$0x5] =	stream.linear.gather [hbm4b:s6+s3], $0x400, $0x38;
	[tilespmem:$0x1C800] =	vst v63  }
0x78: {  	_ =	swait.ge [sflag:s13], $0x400  }
0x79: {  	[sflag:s13] =	ssyncset.done $0x0  }
0x7a: {  	[sflag:s13] =	ssyncadd.s32 $0xFFFFFC00  }
0x7b: {  	[tilespmem:s16], [sflag:$0x1] =	stream.indirect.gather [hbm4b:s4+s15], $0x80, s3, s15, $0xb8;
	[tilespmem:$0x1C800] =	vst v63  }
0x7c: {  	_ = 	snop  }
0x7d: {  	[tilespmem:s17], [sflag:$0x2] =	stream.indirect.gather [hbm4b:s4+s15], $0x80, s15, s15, $0xb8;
	[tilespmem:$0x1C800] =	vst v63  }
0x7e: {  	_ =	swait.ge [sflag:s18], $0x4000  }
0x7f: {  	[sflag:s18] =	ssyncset.done $0x0  }
0x80: {  	[sflag:s18] =	ssyncadd.s32 $0xFFFFC000  }
0x81: {  	[spmem:s2] =	stream.indirect.scatter.add.f32 [tilespmem:s16], [sflag:$0x3], $0x80, s14, s15, $0xb8;
	[tilespmem:$0x1C800] =	vst v63  }
0x82: {  	_ =	swait.ge [sflag:s19], $0x4000  }
0x83: {  	[sflag:s19] =	ssyncset.done $0x0  }
0x84: {  	[sflag:s19] =	ssyncadd.s32 $0xFFFFC000  }
0x85: {  	[tilespmem:s16], [sflag:$0x1] =	stream.indirect.gather [hbm4b:s4+s15], $0x80, s20, s15, $0xb8;
	[tilespmem:$0x1C800] =	vst v63  }
0x86: {  	_ =	swait.ge [sflag:s21], $0x4000  }
0x87: {  	[sflag:s21] =	ssyncset.done $0x0  }
0x88: {  	[sflag:s21] =	ssyncadd.s32 $0xFFFFC000  }
0x89: {  	[spmem:s2] =	stream.indirect.scatter.add.f32 [tilespmem:s17], [sflag:$0x4], $0x80, s22, s15, $0xb8;
	[tilespmem:$0x1C800] =	vst v63  }
0x8a: {  	_ =	swait.ge [sflag:s23], $0x4000  }
0x8b: {  	[sflag:s23] =	ssyncset.done $0x0  }
0x8c: {  	[sflag:s23] =	ssyncadd.s32 $0xFFFFC000  }
0x8d: {  	[tilespmem:s17], [sflag:$0x2] =	stream.indirect.gather [hbm4b:s4+s15], $0x80, s24, s15, $0xb8;
	[tilespmem:$0x1C800] =	vst v63  }
0x8e: {  	_ =	swait.ge [sflag:s18], $0x4000  }
0x8f: {  	[sflag:s18] =	ssyncset.done $0x0  }
0x90: {  	[sflag:s18] =	ssyncadd.s32 $0xFFFFC000  }
0x91: {  	[spmem:s2] =	stream.indirect.scatter.add.f32 [tilespmem:s16], [sflag:$0x3], $0x80, s25, s15, $0xb8;
	[tilespmem:$0x1C800] =	vst v63  }
0x92: {  	_ =	swait.ge [sflag:s19], $0x4000  }
0x93: {  	[sflag:s19] =	ssyncset.done $0x0  }
0x94: {  	[sflag:s19] =	ssyncadd.s32 $0xFFFFC000  }
0x95: {  	[tilespmem:s16], [sflag:$0x1] =	stream.indirect.gather [hbm4b:s4+s15], $0x80, s26, s15, $0xb8;
	[tilespmem:$0x1C800] =	vst v63  }
0x96: {  	_ =	swait.ge [sflag:s21], $0x4000  }
0x97: {  	[sflag:s21] =	ssyncset.done $0x0  }
0x98: {  	[sflag:s21] =	ssyncadd.s32 $0xFFFFC000  }
0x99: {  	[spmem:s2] =	stream.indirect.scatter.add.f32 [tilespmem:s17], [sflag:$0x4], $0x80, s28, s15, $0xb8;
	[tilespmem:$0x1C800] =	vst v63  }
0x9a: {  	_ =	swait.ge [sflag:s23], $0x4000  }
0x9b: {  	[sflag:s23] =	ssyncset.done $0x0  }
0x9c: {  	[sflag:s23] =	ssyncadd.s32 $0xFFFFC000  }
0x9d: {  	[tilespmem:s17], [sflag:$0x2] =	stream.indirect.gather [hbm4b:s4+s15], $0x80, s29, s15, $0xb8;
	[tilespmem:$0x1C800] =	vst v63  }
0x9e: {  	_ =	swait.ge [sflag:s18], $0x4000  }
0x9f: {  	[sflag:s18] =	ssyncset.done $0x0  }
0xa0: {  	[sflag:s18] =	ssyncadd.s32 $0xFFFFC000  }
0xa1: {  	[spmem:s2] =	stream.indirect.scatter.add.f32 [tilespmem:s16], [sflag:$0x3], $0x80, s30, s15, $0xb8;
	[tilespmem:$0x1C800] =	vst v63  }
0xa2: {  	_ =	swait.ge [sflag:s19], $0x4000  }
0xa3: {  	[sflag:s19] =	ssyncset.done $0x0  }
0xa4: {  	[sflag:s19] =	ssyncadd.s32 $0xFFFFC000  }
0xa5: {  	[tilespmem:s16], [sflag:$0x1] =	stream.indirect.gather [hbm4b:s4+s15], $0x80, s31, s15, $0xb8;
	[tilespmem:$0x1C800] =	vst v63  }
0xa6: {  	_ =	swait.ge [sflag:s21], $0x4000  }
0xa7: {  	[sflag:s21] =	ssyncset.done $0x0  }
0xa8: {  	[sflag:s21] =	ssyncadd.s32 $0xFFFFC000  }
0xa9: {  	[spmem:s2] =	stream.indirect.scatter.add.f32 [tilespmem:s17], [sflag:$0x4], $0x80, s0, s15, $0xb8;
	[tilespmem:$0x1C800] =	vst v63  }
0xaa: {  	_ =	swait.ge [sflag:s23], $0x4000  }
0xab: {  	[sflag:s23] =	ssyncset.done $0x0  }
0xac: {  	[sflag:s23] =	ssyncadd.s32 $0xFFFFC000  }
0xad: {  	[tilespmem:s17], [sflag:$0x2] =	stream.indirect.gather [hbm4b:s4+s15], $0x80, s1, s15, $0xb8;
	[tilespmem:$0x1C800] =	vst v63  }
0xae: {  	_ =	swait.ge [sflag:s18], $0x4000  }
0xaf: {  	[sflag:s18] =	ssyncset.done $0x0  }
0xb0: {  	[sflag:s18] =	ssyncadd.s32 $0xFFFFC000  }
0xb1: {  	[spmem:s2] =	stream.indirect.scatter.add.f32 [tilespmem:s16], [sflag:$0x3], $0x80, s7, s15, $0xb8;
	[tilespmem:$0x1C800] =	vst v63  }
0xb2: {  	_ =	swait.ge [sflag:s19], $0x4000  }
0xb3: {  	[sflag:s19] =	ssyncset.done $0x0  }
0xb4: {  	[sflag:s19] =	ssyncadd.s32 $0xFFFFC000  }
0xb5: {  	_ =	swait.ge [sflag:s21], $0x4000  }
0xb6: {  	[sflag:s21] =	ssyncset.done $0x0  }
0xb7: {  	[sflag:s21] =	ssyncadd.s32 $0xFFFFC000  }
0xb8: {  	[spmem:s2] =	stream.indirect.scatter.add.f32 [tilespmem:s17], [sflag:$0x4], $0x80, s8, s15, $0xb8;
	[tilespmem:$0x1C800] =	vst v63  }
0xb9: {  	_ =	swait.ge [sflag:s23], $0x4000  }
0xba: {  	s9 =	simm.s32 $0x80;
	s10 =	simm.s32 $0x100;
	[sflag:s23] =	ssyncset.done $0x0  }
.LBB2_3:
0xbb: {  	s12 =	sadd.s32 s9, s11;
	[sflag:s23] =	ssyncadd.s32 $0xFFFFC000  }
0xbc: {  	[tilespmem:s3], [sflag:$0x5] =	stream.linear.gather [hbm4b:s12+s3], $0x400, $0x38;
	[tilespmem:$0x1C800] =	vst v63  }
0xbd: {  	s5 =	smov.u32 s10;
	_ =	swait.ge [sflag:s13], $0x400  }
0xbe: {  	s6 =	sadd.s32 $0x80, s10;
	s12 =	rddreg [dreg:$0x4];
	[sflag:s13] =	ssyncset.done $0x0  }
0xbf: {  	p1 =	seq.s32 s10, $0x900;
	[sflag:s13] =	ssyncadd.s32 $0xFFFFFC00;
	s10 =	sadd.s32 s9, s12  }
0xc0: {  	[tilespmem:s14], [sflag:$0x5] =	stream.linear.gather [hbm4b:s10+s3], $0x400, $0x38;
	[tilespmem:$0x1C800] =	vst v63  }
0xc1: {  	_ =	swait.ge [sflag:s13], $0x400  }
0xc2: {  	[sflag:s13] =	ssyncset.done $0x0  }
0xc3: {  	[sflag:s13] =	ssyncadd.s32 $0xFFFFFC00  }
0xc4: {  	[tilespmem:s16], [sflag:$0x1] =	stream.indirect.gather [hbm4b:s4+s15], $0x80, s3, s15, $0xb8;
	[tilespmem:$0x1C800] =	vst v63  }
0xc5: {  	_ = 	snop  }
0xc6: {  	[tilespmem:s17], [sflag:$0x2] =	stream.indirect.gather [hbm4b:s4+s15], $0x80, s15, s15, $0xb8;
	[tilespmem:$0x1C800] =	vst v63  }
0xc7: {  	_ =	swait.ge [sflag:s18], $0x4000  }
0xc8: {  	[sflag:s18] =	ssyncset.done $0x0  }
0xc9: {  	[sflag:s18] =	ssyncadd.s32 $0xFFFFC000  }
0xca: {  	[spmem:s2] =	stream.indirect.scatter.add.f32 [tilespmem:s16], [sflag:$0x3], $0x80, s14, s15, $0xb8;
	[tilespmem:$0x1C800] =	vst v63  }
0xcb: {  	_ =	swait.ge [sflag:s19], $0x4000  }
0xcc: {  	[sflag:s19] =	ssyncset.done $0x0  }
0xcd: {  	[sflag:s19] =	ssyncadd.s32 $0xFFFFC000  }
0xce: {  	[tilespmem:s16], [sflag:$0x1] =	stream.indirect.gather [hbm4b:s4+s15], $0x80, s20, s15, $0xb8;
	[tilespmem:$0x1C800] =	vst v63  }
0xcf: {  	_ =	swait.ge [sflag:s21], $0x4000  }
0xd0: {  	[sflag:s21] =	ssyncset.done $0x0  }
0xd1: {  	[sflag:s21] =	ssyncadd.s32 $0xFFFFC000  }
0xd2: {  	[spmem:s2] =	stream.indirect.scatter.add.f32 [tilespmem:s17], [sflag:$0x4], $0x80, s22, s15, $0xb8;
	[tilespmem:$0x1C800] =	vst v63  }
0xd3: {  	_ =	swait.ge [sflag:s23], $0x4000  }
0xd4: {  	[sflag:s23] =	ssyncset.done $0x0  }
0xd5: {  	[sflag:s23] =	ssyncadd.s32 $0xFFFFC000  }
0xd6: {  	[tilespmem:s17], [sflag:$0x2] =	stream.indirect.gather [hbm4b:s4+s15], $0x80, s24, s15, $0xb8;
	[tilespmem:$0x1C800] =	vst v63  }
0xd7: {  	_ =	swait.ge [sflag:s18], $0x4000  }
0xd8: {  	[sflag:s18] =	ssyncset.done $0x0  }
0xd9: {  	[sflag:s18] =	ssyncadd.s32 $0xFFFFC000  }
0xda: {  	[spmem:s2] =	stream.indirect.scatter.add.f32 [tilespmem:s16], [sflag:$0x3], $0x80, s25, s15, $0xb8;
	[tilespmem:$0x1C800] =	vst v63  }
0xdb: {  	_ =	swait.ge [sflag:s19], $0x4000  }
0xdc: {  	[sflag:s19] =	ssyncset.done $0x0  }
0xdd: {  	[sflag:s19] =	ssyncadd.s32 $0xFFFFC000  }
0xde: {  	[tilespmem:s16], [sflag:$0x1] =	stream.indirect.gather [hbm4b:s4+s15], $0x80, s26, s15, $0xb8;
	[tilespmem:$0x1C800] =	vst v63  }
0xdf: {  	_ =	swait.ge [sflag:s21], $0x4000  }
0xe0: {  	[sflag:s21] =	ssyncset.done $0x0  }
0xe1: {  	[sflag:s21] =	ssyncadd.s32 $0xFFFFC000  }
0xe2: {  	[spmem:s2] =	stream.indirect.scatter.add.f32 [tilespmem:s17], [sflag:$0x4], $0x80, s28, s15, $0xb8;
	[tilespmem:$0x1C800] =	vst v63  }
0xe3: {  	_ =	swait.ge [sflag:s23], $0x4000  }
0xe4: {  	[sflag:s23] =	ssyncset.done $0x0  }
0xe5: {  	[sflag:s23] =	ssyncadd.s32 $0xFFFFC000  }
0xe6: {  	[tilespmem:s17], [sflag:$0x2] =	stream.indirect.gather [hbm4b:s4+s15], $0x80, s29, s15, $0xb8;
	[tilespmem:$0x1C800] =	vst v63  }
0xe7: {  	_ =	swait.ge [sflag:s18], $0x4000  }
0xe8: {  	[sflag:s18] =	ssyncset.done $0x0  }
0xe9: {  	[sflag:s18] =	ssyncadd.s32 $0xFFFFC000  }
0xea: {  	[spmem:s2] =	stream.indirect.scatter.add.f32 [tilespmem:s16], [sflag:$0x3], $0x80, s30, s15, $0xb8;
	[tilespmem:$0x1C800] =	vst v63  }
0xeb: {  	_ =	swait.ge [sflag:s19], $0x4000  }
0xec: {  	[sflag:s19] =	ssyncset.done $0x0  }
0xed: {  	[sflag:s19] =	ssyncadd.s32 $0xFFFFC000  }
0xee: {  	[tilespmem:s16], [sflag:$0x1] =	stream.indirect.gather [hbm4b:s4+s15], $0x80, s31, s15, $0xb8;
	[tilespmem:$0x1C800] =	vst v63  }
0xef: {  	_ =	swait.ge [sflag:s21], $0x4000  }
0xf0: {  	[sflag:s21] =	ssyncset.done $0x0  }
0xf1: {  	[sflag:s21] =	ssyncadd.s32 $0xFFFFC000  }
0xf2: {  	[spmem:s2] =	stream.indirect.scatter.add.f32 [tilespmem:s17], [sflag:$0x4], $0x80, s0, s15, $0xb8;
	[tilespmem:$0x1C800] =	vst v63  }
0xf3: {  	_ =	swait.ge [sflag:s23], $0x4000  }
0xf4: {  	[sflag:s23] =	ssyncset.done $0x0  }
0xf5: {  	[sflag:s23] =	ssyncadd.s32 $0xFFFFC000  }
0xf6: {  	[tilespmem:s17], [sflag:$0x2] =	stream.indirect.gather [hbm4b:s4+s15], $0x80, s1, s15, $0xb8;
	[tilespmem:$0x1C800] =	vst v63  }
0xf7: {  	_ =	swait.ge [sflag:s18], $0x4000  }
0xf8: {  	[sflag:s18] =	ssyncset.done $0x0  }
0xf9: {  	[sflag:s18] =	ssyncadd.s32 $0xFFFFC000  }
0xfa: {  	[spmem:s2] =	stream.indirect.scatter.add.f32 [tilespmem:s16], [sflag:$0x3], $0x80, s7, s15, $0xb8;
	[tilespmem:$0x1C800] =	vst v63  }
0xfb: {  	_ =	swait.ge [sflag:s19], $0x4000  }
0xfc: {  	[sflag:s19] =	ssyncset.done $0x0  }
0xfd: {  	[sflag:s19] =	ssyncadd.s32 $0xFFFFC000  }
0xfe: {  	_ =	swait.ge [sflag:s21], $0x4000  }
.Ltmp3:
0xff: {  	[sflag:s21] =	ssyncset.done $0x0;
	(pc) =	sbr.rel @!p1 .LBB2_3-.Ltmp3, $4  }
0x100: {  	[sflag:s21] =	ssyncadd.s32 $0xFFFFC000  }
0x101: {  	[spmem:s2] =	stream.indirect.scatter.add.f32 [tilespmem:s17], [sflag:$0x4], $0x80, s8, s15, $0xb8;
	[tilespmem:$0x1C800] =	vst v63  }
0x102: {  	_ =	swait.ge [sflag:s23], $0x4000  }
0x103: {  	s9 =	smov.u32 s5;
	s10 =	smov.u32 s6;
	[sflag:s23] =	ssyncset.done $0x0  }
0x104: {  	s5 =	sadd.s32 s9, s11;
	[sflag:s23] =	ssyncadd.s32 $0xFFFFC000  }
0x105: {  	[tilespmem:s3], [sflag:$0x5] =	stream.linear.gather [hbm4b:s5+s3], $0x400, $0x38;
	[tilespmem:$0x1C800] =	vst v63  }
0x106: {  	_ =	swait.ge [sflag:s13], $0x400  }
0x107: {  	s12 =	rddreg [dreg:$0x4];
	[sflag:s13] =	ssyncset.done $0x0  }
0x108: {  	s5 =	sadd.s32 s9, s12;
	[sflag:s13] =	ssyncadd.s32 $0xFFFFFC00  }
0x109: {  	[tilespmem:s14], [sflag:$0x5] =	stream.linear.gather [hbm4b:s5+s3], $0x400, $0x38;
	[tilespmem:$0x1C800] =	vst v63  }
0x10a: {  	_ =	swait.ge [sflag:s13], $0x400  }
0x10b: {  	[sflag:s13] =	ssyncset.done $0x0  }
0x10c: {  	[sflag:s13] =	ssyncadd.s32 $0xFFFFFC00  }
0x10d: {  	[tilespmem:s16], [sflag:$0x1] =	stream.indirect.gather [hbm4b:s4+s15], $0x80, s3, s15, $0xb8;
	[tilespmem:$0x1C800] =	vst v63  }
0x10e: {  	_ = 	snop  }
0x10f: {  	[tilespmem:s17], [sflag:$0x2] =	stream.indirect.gather [hbm4b:s4+s15], $0x80, s15, s15, $0xb8;
	[tilespmem:$0x1C800] =	vst v63  }
0x110: {  	_ =	swait.ge [sflag:s18], $0x4000  }
0x111: {  	[sflag:s18] =	ssyncset.done $0x0  }
0x112: {  	[sflag:s18] =	ssyncadd.s32 $0xFFFFC000  }
0x113: {  	[spmem:s2] =	stream.indirect.scatter.add.f32 [tilespmem:s16], [sflag:$0x3], $0x80, s14, s15, $0xb8;
	[tilespmem:$0x1C800] =	vst v63  }
0x114: {  	_ =	swait.ge [sflag:s19], $0x4000  }
0x115: {  	[sflag:s19] =	ssyncset.done $0x0  }
0x116: {  	[sflag:s19] =	ssyncadd.s32 $0xFFFFC000  }
0x117: {  	[tilespmem:s16], [sflag:$0x1] =	stream.indirect.gather [hbm4b:s4+s15], $0x80, s20, s15, $0xb8;
	[tilespmem:$0x1C800] =	vst v63  }
0x118: {  	_ =	swait.ge [sflag:s21], $0x4000  }
0x119: {  	[sflag:s21] =	ssyncset.done $0x0  }
0x11a: {  	[sflag:s21] =	ssyncadd.s32 $0xFFFFC000  }
0x11b: {  	[spmem:s2] =	stream.indirect.scatter.add.f32 [tilespmem:s17], [sflag:$0x4], $0x80, s22, s15, $0xb8;
	[tilespmem:$0x1C800] =	vst v63  }
0x11c: {  	_ =	swait.ge [sflag:s23], $0x4000  }
0x11d: {  	[sflag:s23] =	ssyncset.done $0x0  }
0x11e: {  	[sflag:s23] =	ssyncadd.s32 $0xFFFFC000  }
0x11f: {  	[tilespmem:s17], [sflag:$0x2] =	stream.indirect.gather [hbm4b:s4+s15], $0x80, s24, s15, $0xb8;
	[tilespmem:$0x1C800] =	vst v63  }
0x120: {  	_ =	swait.ge [sflag:s18], $0x4000  }
0x121: {  	[sflag:s18] =	ssyncset.done $0x0  }
0x122: {  	[sflag:s18] =	ssyncadd.s32 $0xFFFFC000  }
0x123: {  	[spmem:s2] =	stream.indirect.scatter.add.f32 [tilespmem:s16], [sflag:$0x3], $0x80, s25, s15, $0xb8;
	[tilespmem:$0x1C800] =	vst v63  }
0x124: {  	_ =	swait.ge [sflag:s19], $0x4000  }
0x125: {  	[sflag:s19] =	ssyncset.done $0x0  }
0x126: {  	[sflag:s19] =	ssyncadd.s32 $0xFFFFC000  }
0x127: {  	[tilespmem:s16], [sflag:$0x1] =	stream.indirect.gather [hbm4b:s4+s15], $0x80, s26, s15, $0xb8;
	[tilespmem:$0x1C800] =	vst v63  }
0x128: {  	_ =	swait.ge [sflag:s21], $0x4000  }
0x129: {  	[sflag:s21] =	ssyncset.done $0x0  }
0x12a: {  	[sflag:s21] =	ssyncadd.s32 $0xFFFFC000  }
0x12b: {  	[spmem:s2] =	stream.indirect.scatter.add.f32 [tilespmem:s17], [sflag:$0x4], $0x80, s28, s15, $0xb8;
	[tilespmem:$0x1C800] =	vst v63  }
0x12c: {  	_ =	swait.ge [sflag:s23], $0x4000  }
0x12d: {  	[sflag:s23] =	ssyncset.done $0x0  }
0x12e: {  	[sflag:s23] =	ssyncadd.s32 $0xFFFFC000  }
0x12f: {  	[tilespmem:s17], [sflag:$0x2] =	stream.indirect.gather [hbm4b:s4+s15], $0x80, s29, s15, $0xb8;
	[tilespmem:$0x1C800] =	vst v63  }
0x130: {  	_ =	swait.ge [sflag:s18], $0x4000  }
0x131: {  	[sflag:s18] =	ssyncset.done $0x0  }
0x132: {  	[sflag:s18] =	ssyncadd.s32 $0xFFFFC000  }
0x133: {  	[spmem:s2] =	stream.indirect.scatter.add.f32 [tilespmem:s16], [sflag:$0x3], $0x80, s30, s15, $0xb8;
	[tilespmem:$0x1C800] =	vst v63  }
0x134: {  	_ =	swait.ge [sflag:s19], $0x4000  }
0x135: {  	[sflag:s19] =	ssyncset.done $0x0  }
0x136: {  	[sflag:s19] =	ssyncadd.s32 $0xFFFFC000  }
0x137: {  	[tilespmem:s16], [sflag:$0x1] =	stream.indirect.gather [hbm4b:s4+s15], $0x80, s31, s15, $0xb8;
	[tilespmem:$0x1C800] =	vst v63  }
0x138: {  	_ =	swait.ge [sflag:s21], $0x4000  }
0x139: {  	[sflag:s21] =	ssyncset.done $0x0  }
0x13a: {  	[sflag:s21] =	ssyncadd.s32 $0xFFFFC000  }
0x13b: {  	[spmem:s2] =	stream.indirect.scatter.add.f32 [tilespmem:s17], [sflag:$0x4], $0x80, s0, s15, $0xb8;
	[tilespmem:$0x1C800] =	vst v63  }
0x13c: {  	_ =	swait.ge [sflag:s23], $0x4000  }
0x13d: {  	[sflag:s23] =	ssyncset.done $0x0  }
0x13e: {  	[sflag:s23] =	ssyncadd.s32 $0xFFFFC000  }
0x13f: {  	[tilespmem:s17], [sflag:$0x2] =	stream.indirect.gather [hbm4b:s4+s15], $0x80, s1, s15, $0xb8;
	[tilespmem:$0x1C800] =	vst v63  }
0x140: {  	_ =	swait.ge [sflag:s18], $0x4000  }
0x141: {  	[sflag:s18] =	ssyncset.done $0x0  }
0x142: {  	[sflag:s18] =	ssyncadd.s32 $0xFFFFC000  }
0x143: {  	[spmem:s2] =	stream.indirect.scatter.add.f32 [tilespmem:s16], [sflag:$0x3], $0x80, s7, s15, $0xb8;
	[tilespmem:$0x1C800] =	vst v63  }
0x144: {  	_ =	swait.ge [sflag:s19], $0x4000  }
0x145: {  	[sflag:s19] =	ssyncset.done $0x0  }
0x146: {  	[sflag:s19] =	ssyncadd.s32 $0xFFFFC000  }
0x147: {  	_ =	swait.ge [sflag:s21], $0x4000  }
0x148: {  	[sflag:s21] =	ssyncset.done $0x0  }
0x149: {  	[sflag:s21] =	ssyncadd.s32 $0xFFFFC000  }
0x14a: {  	[spmem:s2] =	stream.indirect.scatter.add.f32 [tilespmem:s17], [sflag:$0x4], $0x80, s8, s15, $0xb8;
	[tilespmem:$0x1C800] =	vst v63  }
0x14b: {  	_ =	swait.ge [sflag:s23], $0x4000  }
.Ltmp4:
0x14c: {  	s10 =	rddreg [dreg:$0x6];
	(pc) =	sbr.rel .LBB2_6-.Ltmp4, $4  }
0x14d: {  	s6 =	rddreg [dreg:$0x9]  }
0x14e: {  	s9 =	rddreg [dreg:$0xa]  }
0x14f: {  	[sflag:s23] =	ssyncset.done $0x0;
	s12 =	rddreg [dreg:$0xb]  }
0x150: {  	s5 =	rddreg [dreg:$0xc];
	[sflag:s23] =	ssyncadd.s32 $0xFFFFC000  }
.LBB2_7:
0x151: {  	_ =	sfence.sel $0x180000  }
0x152: {  	[bflag:$0x0] =	sbarrier.arrive $0xFFFF  }
0x153: {  	_ =	strace $0x9000004A  }
0x154: {  	s0 =	stileid.u32;
	[bflag:$0x2] =	sbarrier.arrive $0xFFFF  }
0x155: {  	p0 =	sne.s32 s0, $0x0;
	s0 =	rddreg [dreg:$0x3]  }
0x156: {  	s0 =	sadd.s32 @!p0 $0x100000, s0  }
0x157: {  	[sflag:s0] =	ssyncadd.tile.s32 @!p0 $0x1;
	_ =	shalt  }
.Lfunc_end2:
_tile_overlayer_lowered:
.L_overlay_start_2:
0x158: {  	(tag) =	ssettag $0x2  }
0x159: {  	s0 =	rddreg [dreg:$0x0];
	s2 =	stileid.u32  }
0x15a: {  	s1 =	rddreg [dreg:$0x1];
	p0 =	sne.s32 s2, $0x0  }
0x15b: {  	s3 =	rddreg [dreg:$0x2];
	[bflag:$0x3] =	sbarrier.arrive $0xFFFF;
	s2 =	simm.s32 @!p0 $0x1C05  }
0x15c: {  	[timem:s3], [sflag:s2] =	dma.local @!p0 [hbm:s0], s1  }
0x15d: {  	s0 =	simm.s32 @!p0 $0x5  }
0x15e: {  	_ =	swait.ge @!p0 [sflag:s0], s1  }
0x15f: {  	s1 =	ssub.s32 @!p0 $0x0, s1;
	[sflag:s0] =	ssyncset.done @!p0 $0x0  }
0x160: {  	[sflag:s0] =	ssyncadd.s32 @!p0 s1  }
0x161: {  	[bflag:$0x3] =	sbarrier.arrive $0xFFFF  }
0x162: {  	_ =	shalt  }

// kernel: kernel.14.cloned.1.call-start
scs
__scs_entry_jumppad:
0x0: {  	(pc) =	sbr.rel $0x88, $3  }
0x1: {  	(tag) =	ssettag $0x0;
	lr =	simm.s32 $0x1  }
0x2: {  	[smem:$0x3F99] =	sst lr;
	_ =	strace $0xD0000000  }
0x3: {  	_ = 	snop  }
0x4: {  	_ = 	snop  }
0x5: {  	_ = 	snop  }
0x6: {  	_ = 	snop  }
0x7: {  	_ = 	snop  }
__scs_overlays_trampoline_lowered:
0x8: {  	[smem:$0x3FA8] =	sst s0  }
0x9: {  	[smem:$0x3FA9] =	sst s1  }
0xa: {  	[smem:$0x3FAA] =	sst s2  }
0xb: {  	[smem:$0x3FAB] =	sst s3  }
0xc: {  	[smem:$0x3FAC] =	sst s4  }
0xd: {  	[smem:$0x3FAD] =	sst s5  }
0xe: {  	[smem:$0x3FAE] =	sst s6  }
0xf: {  	[smem:$0x3FAF] =	sst s7  }
0x10: {  	[smem:$0x3FB0] =	sst s8  }
0x11: {  	[smem:$0x3FB1] =	sst s9;
	s0 =	simm.s32 @!p0 $0x0  }
0x12: {  	s1 =	sld [smem:$0x3F97];
	s0 =	simm.s32 @p0 $0x1  }
0x13: {  	[smem:$0x3FB2] =	sst s0;
	s0 =	simm.s32 @!p1 $0x0  }
0x14: {  	s2 =	sld [smem:$0x3F96];
	s0 =	simm.s32 @p1 $0x1  }
0x15: {  	[smem:$0x3FB3] =	sst s0;
	s0 =	simm.s32 @!p2 $0x0  }
0x16: {  	s3 =	sld [smem:$0x3FDB];
	s0 =	simm.s32 @p2 $0x1  }
0x17: {  	s4 =	simm.s32 $0x1BF5;
	[smem:$0x3FB5] =	sst s0  }
0x18: {  	s0 =	sld [smem:$0x3F98];
	_ =	swait.ge [sflag:s4], $0x0  }
0x19: {  	s7 =	sld [smem:$0x3F99]  }
0x1a: {  	s8 =	sadd.s32 $0xFFFFE003, lr  }
0x1b: {  	s9 =	sadd.s32 $0xFFFFFEF7, lr;
	s5 =	simm.s32 $0xFFFFFFFF;
	p2 =	slt.u32 s8, $0xFFFFF086  }
0x1c: {  	p1 =	slt.u32 s9, $0xF7A;
	s5 =	simm.s32 @!p2 $0x0  }
0x1d: {  	s5 =	simm.s32 @p1 $0x1;
	p0 =	seq.s32 s7, s2  }
0x1e: {  	s7 =	smul.u32 @!p0 $0xF7A, s2;
	p2 =	seq.s32 @!p0 s5, $0x0  }
0x1f: {  	s9 =	smul.u32 $0xF7A, s1;
	s8 =	simm.s32 @!p0 $0x1BF5;
	p2 =	por !p2, p0  }
0x20: {  	[sflag:s8] =	ssyncset.s32 @!p0 $0xFFFFF086;
	s6 =	sadd.s32 @!p0 s3, s7;
	s7 =	simm.s32 @!p0 $0x108  }
0x21: {  	s3 =	sadd.s32 s3, s9;
	s6 =	sadd.s32 @!p0 $0x88, s6;
	s7 =	simm.s32 @p2 $0x1082  }
0x22: {  	[simem:s7], [sflag:s8] =	dma.local @!p0 [hbm:s6], $0xF7A  }
0x23: {  	s9 =	sor.u32 $0xD0000000, s2;
	s6 =	simm.s32 $0x108;
	_ =	swait.ge @!p0 [sflag:s8], $0x0  }
0x24: {  	s3 =	sadd.s32 $0x88, s3;
	s6 =	simm.s32 @!p1 $0x1082;
	[sflag:s4] =	ssyncset.s32 $0xFFFFF086  }
0x25: {  	[simem:s6], [sflag:s4] =	dma.local [hbm:s3], $0xF7A  }
0x26: {  	[smem:$0x3F99] =	sst s1;
	(tag) =	ssettag s2;
	_ =	strace s9  }
0x27: {  	s1 =	sld [smem:$0x3FA9]  }
0x28: {  	s2 =	sld [smem:$0x3FAA]  }
0x29: {  	s4 =	sld [smem:$0x3FAC]  }
0x2a: {  	p0 =	seq.s32 s5, $0x0;
	s5 =	sld [smem:$0x3FAD]  }
0x2b: {  	s6 =	sld [smem:$0x3FAE]  }
0x2c: {  	s7 =	sld [smem:$0x3FAF]  }
0x2d: {  	s3 =	simm.s32 $0x108;
	s8 =	sld [smem:$0x3FB0]  }
0x2e: {  	s3 =	simm.s32 @!p0 $0x1082;
	s9 =	sld [smem:$0x3FB1]  }
0x2f: {  	lr =	sadd.s32 s0, s3;
	s0 =	sld [smem:$0x3FA8]  }
0x30: {  	s3 =	sld [smem:$0x3FAB]  }
0x31: {  	[smem:$0x3FB4] =	sst s10  }
0x32: {  	s10 =	sld [smem:$0x3FB2];
	_ =	sdelay $0x3  }
0x33: {  	p0 =	seq.s32 s10, $0x1;
	s10 =	sld [smem:$0x3FB4];
	_ =	sdelay $0x3  }
0x34: {  	[smem:$0x3FB4] =	sst s10  }
0x35: {  	s10 =	sld [smem:$0x3FB3];
	_ =	sdelay $0x3  }
0x36: {  	p1 =	seq.s32 s10, $0x1;
	s10 =	sld [smem:$0x3FB4];
	_ =	sdelay $0x3  }
0x37: {  	[smem:$0x3FB4] =	sst s10  }
0x38: {  	s10 =	sld [smem:$0x3FB5]  }
0x39: {  	_ = 	snop;
	(pc) =	sbr.ind lr, $3  }
0x3a: {  	_ = 	snop  }
0x3b: {  	_ = 	snop  }
0x3c: {  	p2 =	seq.s32 s10, $0x1;
	s10 =	sld [smem:$0x3FB4]  }
0x3d: {  	_ =	shalt  }
0x3e: {  	_ =	shalt  }
0x3f: {  	_ =	shalt  }
0x40: {  	_ =	shalt  }
0x41: {  	_ =	shalt  }
0x42: {  	_ =	shalt  }
0x43: {  	_ =	shalt  }
0x44: {  	_ =	shalt  }
0x45: {  	_ =	shalt  }
0x46: {  	_ =	shalt  }
0x47: {  	_ =	shalt  }
0x48: {  	_ =	shalt  }
0x49: {  	_ =	shalt  }
0x4a: {  	_ =	shalt  }
0x4b: {  	_ =	shalt  }
0x4c: {  	_ =	shalt  }
0x4d: {  	_ =	shalt  }
0x4e: {  	_ =	shalt  }
0x4f: {  	_ =	shalt  }
0x50: {  	_ =	shalt  }
0x51: {  	_ =	shalt  }
0x52: {  	_ =	shalt  }
0x53: {  	_ =	shalt  }
0x54: {  	_ =	shalt  }
0x55: {  	_ =	shalt  }
0x56: {  	_ =	shalt  }
0x57: {  	_ =	shalt  }
0x58: {  	_ =	shalt  }
0x59: {  	_ =	shalt  }
0x5a: {  	_ =	shalt  }
0x5b: {  	_ =	shalt  }
0x5c: {  	_ =	shalt  }
0x5d: {  	_ =	shalt  }
0x5e: {  	_ =	shalt  }
0x5f: {  	_ =	shalt  }
0x60: {  	_ =	shalt  }
0x61: {  	_ =	shalt  }
0x62: {  	_ =	shalt  }
0x63: {  	_ =	shalt  }
0x64: {  	_ =	shalt  }
0x65: {  	_ =	shalt  }
0x66: {  	_ =	shalt  }
0x67: {  	_ =	shalt  }
0x68: {  	_ =	shalt  }
0x69: {  	_ =	shalt  }
0x6a: {  	_ =	shalt  }
0x6b: {  	_ =	shalt  }
0x6c: {  	_ =	shalt  }
0x6d: {  	_ =	shalt  }
0x6e: {  	_ =	shalt  }
0x6f: {  	_ =	shalt  }
0x70: {  	_ =	shalt  }
0x71: {  	_ =	shalt  }
0x72: {  	_ =	shalt  }
0x73: {  	_ =	shalt  }
0x74: {  	_ =	shalt  }
0x75: {  	_ =	shalt  }
0x76: {  	_ =	shalt  }
0x77: {  	_ =	shalt  }
0x78: {  	_ =	shalt  }
0x79: {  	_ =	shalt  }
0x7a: {  	_ =	shalt  }
0x7b: {  	_ =	shalt  }
0x7c: {  	_ =	shalt  }
0x7d: {  	_ =	shalt  }
0x7e: {  	_ =	shalt  }
0x7f: {  	_ =	shalt  }
0x80: {  	_ =	shalt  }
0x81: {  	_ =	shalt  }
0x82: {  	_ =	shalt  }
0x83: {  	_ =	shalt  }
0x84: {  	_ =	shalt  }
0x85: {  	_ =	shalt  }
0x86: {  	_ =	shalt  }
0x87: {  	_ =	shalt  }
.Lfunc_end0:
.L_simem_size_0:
called_computation.2_lowered:
.L_overlay_start_0:
0x88: {  	s2 =	sld [smem:$0x3FD9]  }
0x89: {  	s3 =	sld [smem:$0x3FFE];
	_ =	sdelay $0x1  }
0x8a: {  	s1 =	srdreg.scid  }
0x8b: {  	s0 =	sand.u32 $0x1, s1  }
0x8c: {  	s17 =	sshll.u32 s0, $0xA;
	s2 =	sadd.s32 s3, s2  }
0x8d: {  	s2 =	sadd.s32 s2, s17  }
0x8e: {  	[smem:$0x3FC0] =	sst s2  }
0x8f: {  	_ = 	snop  }
0x90: {  	s2 =	sld [smem:$0x3FD0];
	(tm) =	ssettm $0x1  }
0x91: {  	s18 =	sld [smem:$0x3FFB];
	_ =	sdelay $0x3  }
0x92: {  	_ =	strace s18  }
0x93: {  	s3 =	sld [smem:$0x3FFC];
	_ =	sdelay $0x3  }
0x94: {  	_ =	strace s3  }
0x95: {  	s3 =	sld [smem:$0x3FFD];
	_ =	sdelay $0x3  }
0x96: {  	_ =	strace s3  }
0x97: {  	_ =	strace $0x8FFFFFFF  }
0x98: {  	s19 =	sld [smem:$0x3FDB];
	_ =	sdelay $0x1  }
0x99: {  	s4 =	simm.s32 $_scs_section_size  }
0x9a: {  	s5 =	simm.s32 $_size__tile_overlayer_lowered;
	s6 =	simm.s32 $_tile_overlayer_lowered  }
0x9b: {  	s22 =	simm.s32 $0x1BFF;
	s21 =	sshll.u32 s6, $0x1;
	s3 =	sadd.s32 s4, s19  }
0x9c: {  	s7 =	simm.s32 $0x0;
	s20 =	sshll.u32 s5, $0x1;
	s5 =	sadd.s32 s21, s3  }
0x9d: {  	[timem:s7], [sflag:s22] =	dma.local [hbm:s5], s20  }
0x9e: {  	_ =	swait.ge [sflag:s22], s20  }
0x9f: {  	s4 =	ssub.s32 $0x0, s20;
	[sflag:s22] =	ssyncset.done $0x0  }
0xa0: {  	[sflag:s22] =	ssyncadd.s32 s4;
	_ =	sdelay $0x1  }
0xa1: {  	s23 =	simm.s32 $0x1B8B  }
0xa2: {  	_ =	swait.ge [sflag:s23], $0x1  }
0xa3: {  	[sflag:s23] =	ssyncset.done $0x0  }
0xa4: {  	s25 =	simm.s32 $0x1B8E;
	s24 =	sld [smem:$0x3FFE];
	[sflag:s23] =	ssyncadd.s32 $0xFFFFFFFF  }
0xa5: {  	s26 =	simm.s32 $execute0_lowered;
	[smem:$0x3FD2] =	sst s25  }
0xa6: {  	s5 =	sshll.u32 s26, $0x1;
	_ =	strace $0x8000004C;
	[dreg:$0x1] =	wrdreg $0xFFFFFFFF  }
0xa7: {  	s28 =	simm.s32 $_size_execute0_lowered;
	s3 =	sadd.s32 s3, s5;
	[dreg:$0x0] =	wrdreg $0x0  }
0xa8: {  	s5 =	sshll.u32 s28, $0x1;
	[dreg:$0x2] =	wrdreg s3  }
0xa9: {  	[dreg:$0x3] =	wrdreg s5  }
0xaa: {  	[dreg:$0x4] =	wrdreg $0xC0  }
0xab: {  	_ =	task [dreg:s7], $0x5FFFF  }
0xac: {  	[dreg:$0x1] =	wrdreg $0xFFFFFFFF  }
0xad: {  	[dreg:$0x0] =	wrdreg $0x60  }
0xae: {  	[dreg:$0x2] =	wrdreg s24  }
0xaf: {  	[dreg:$0x3] =	wrdreg s2  }
0xb0: {  	[dreg:$0x4] =	wrdreg $0x88000  }
0xb1: {  	[dreg:$0x5] =	wrdreg $0x9  }
0xb2: {  	_ =	task.clear_ibuf [dreg:s7], $0x6FFFF;
	_ =	strace $0x9000004C  }
0xb3: {  	s29 =	simm.s32 $0x9;
	_ =	strace $0x8000004E  }
0xb4: {  	_ =	swait.ge [sflag:s29], $0x1  }
0xb5: {  	[sflag:s29] =	ssyncadd.s32 $0xFFFFFFFF  }
0xb6: {  	_ =	strace $0x9000004E  }
0xb7: {  	_ =	sfence  }
0xb8: {  	s30 =	sld [smem:$0x0];
	_ =	sdelay $0x2  }
0xb9: {  	s31 =	sshll.u32 s1, $0xD;
	s1 =	sshrl.u32 s1, $0x2  }
0xba: {  	s3 =	sand.u32 $0x4000, s31;
	s1 =	sadd.s32 s1, s30  }
0xbb: {  	s0 =	sor.u32 s3, s0;
	s1 =	sshll.u32 s1, $0x11  }
0xbc: {  	s0 =	sor.u32 s1, s0  }
0xbd: {  	s0 =	sadd.s32 $0x8F2B, s0  }
0xbe: {  	[sflag:s0] =	ssyncadd.remote.s32 $0x1  }
0xbf: {  	_ =	sfence.sel $0xFFFF  }
0xc0: {  	[dreg:$0x0] =	wrdreg $0xFFFFFFFF;
	(pc) =	sbr.abs _section_cstart, $3  }
0xc1: {  	[dreg:$0x1] =	wrdreg $0xFFFFFFFF  }
0xc2: {  	_ =	task.clear_ibuf [dreg:s7], $0x2FFFF;
	_ =	strace $0x9FFFFFFF  }
0xc3: {  	(tm) =	ssettm $0x7FFFFFFF  }
tec
execute0_lowered:
.L_overlay_start_1:
0x0: {  	(tag) =	ssettag $0x1  }
0x1: {  	s0 =	rddreg [dreg:$0x0]  }
0x2: {  	s1 =	rddreg [dreg:$0x1]  }
0x3: {  	s2 =	rddreg [dreg:$0x2];
	s3 =	simm.s32 $0x0  }
0x4: {  	s12 =	stileid.u32;
	s4 =	srdreg.scid;
	s13 =	simm.s32 $0x5  }
0x5: {  	s14 =	simm.s32 $0x400;
	s15 =	simm.s32 $0x80;
	s16 =	simm.s32 $0x800  }
0x6: {  	s17 =	simm.s32 $0x4800;
	s28 =	simm.s32 $0x580;
	s29 =	simm.s32 $0x280  }
0x7: {  	s30 =	simm.s32 $0x600;
	s31 =	simm.s32 $0x300;
	[smem:$0x7FF] =	sst s3  }
0x8: {  	s5 =	smul.u32 $0x14000, s12;
	s6 =	sand.u32 $0x1, s4;
	s4 =	sadd.s32 $0xC200, s0  }
0x9: {  	s8 =	sadd.s32 $0x2200, s0;
	s10 =	smul.u32 $0x50000, s12;
	s21 =	sshll.u32 s12, $0x7  }
0xa: {  	s22 =	sshll.u32 s12, $0x6;
	s23 =	smul.u32 $0x980, s12;
	_ =	strace $0x8000004D  }
0xb: {  	s7 =	smul.u32 $0x140000, s6;
	s18 =	ssub.s32 $0x2, s6;
	p0 =	seq.s32 s6, $0x1  }
0xc: {  	s9 =	sshrl.u32 s5, $0x3;
	s11 =	sshrl.u32 s18, $0x1;
	s20 =	sshrl.u32 s10, $0x2  }
0xd: {  	s10 =	sor.u32 $0x1C05, s22;
	s26 =	sadd.s32 s23, s8;
	s22 =	simm.s32 $0x480  }
0xe: {  	s5 =	sadd.s32 s5, s7;
	s9 =	sadd.s32 s9, s0;
	s19 =	ssub.s32 s18, s11  }
0xf: {  	s7 =	sadd.s32 s20, s2;
	[dreg:$0x4] =	wrdreg s26;
	s11 =	sadd.s32 s23, s1  }
0x10: {  	s18 =	simm.s32 $0x1;
	s20 =	simm.s32 $0x100;
	s23 =	simm.s32 $0x4  }
0x11: {  	s26 =	simm.s32 $0x200;
	[dreg:$0x6] =	wrdreg s10;
	s5 =	sshrl.u32 s5, $0x3  }
0x12: {  	s9 =	sadd.s32 $0x34200, s9;
	s12 =	sshrl.u32 s7, $0x3;
	s7 =	simm.s32 $0x700  }
0x13: {  	s0 =	sadd.s32 s5, s0;
	[dreg:$0x5] =	wrdreg s9;
	s9 =	sor.u32 $0x9800, s21  }
0x14: {  	s21 =	simm.s32 $0x2;
	s5 =	simm.s32 $0x0;
	[dreg:$0xb] =	wrdreg s12  }
.Ltmp0:
0x15: {  	s24 =	sadd.s32 s1, s9;
	s25 =	sadd.s32 s8, s9;
	(pc) =	sbr.rel .LBB2_1-.Ltmp0, $4  }
0x16: {  	s6 =	sadd.s32 $0x5C200, s0;
	s9 =	smax.u32 s19, $0x1;
	[dreg:$0x7] =	wrdreg s24  }
0x17: {  	s19 =	simm.s32 $0x3;
	s0 =	simm.s32 $0x680;
	[dreg:$0x8] =	wrdreg s25  }
0x18: {  	s1 =	simm.s32 $0x380;
	s8 =	simm.s32 $0x780;
	[dreg:$0x9] =	wrdreg s6  }
0x19: {  	s24 =	simm.s32 $0x180;
	s25 =	simm.s32 $0x500;
	[dreg:$0xa] =	wrdreg s9  }
.LBB2_5:
0x1a: {  	s5 =	rddreg [dreg:$0x7]  }
0x1b: {  	[tilespmem:s3], [sflag:$0x5] =	stream.linear.gather [hbm4b:s5+s3], $0x400, $0x38;
	[tilespmem:$0x1C800] =	vst v63  }
0x1c: {  	_ =	swait.ge [sflag:s13], $0x400  }
0x1d: {  	[sflag:s13] =	ssyncset.done $0x0  }
0x1e: {  	s5 =	rddreg [dreg:$0x8];
	[sflag:s13] =	ssyncadd.s32 $0xFFFFFC00  }
0x1f: {  	[tilespmem:s14], [sflag:$0x5] =	stream.linear.gather [hbm4b:s5+s3], $0x400, $0x38;
	[tilespmem:$0x1C800] =	vst v63  }
0x20: {  	_ =	swait.ge [sflag:s13], $0x400  }
0x21: {  	[sflag:s13] =	ssyncset.done $0x0  }
0x22: {  	[sflag:s13] =	ssyncadd.s32 $0xFFFFFC00  }
0x23: {  	[tilespmem:s16], [sflag:$0x1] =	stream.indirect.gather [hbm4b:s4+s15], $0x80, s3, s15, $0xb8;
	[tilespmem:$0x1C800] =	vst v63  }
0x24: {  	_ = 	snop  }
0x25: {  	[tilespmem:s17], [sflag:$0x2] =	stream.indirect.gather [hbm4b:s4+s15], $0x80, s15, s15, $0xb8;
	[tilespmem:$0x1C800] =	vst v63  }
0x26: {  	_ =	swait.ge [sflag:s18], $0x4000  }
0x27: {  	[sflag:s18] =	ssyncset.done $0x0  }
0x28: {  	[sflag:s18] =	ssyncadd.s32 $0xFFFFC000  }
0x29: {  	[spmem:s2] =	stream.indirect.scatter.add.f32 [tilespmem:s16], [sflag:$0x3], $0x80, s14, s15, $0xb8;
	[tilespmem:$0x1C800] =	vst v63  }
0x2a: {  	_ =	swait.ge [sflag:s19], $0x4000  }
0x2b: {  	[sflag:s19] =	ssyncset.done $0x0  }
0x2c: {  	[sflag:s19] =	ssyncadd.s32 $0xFFFFC000  }
0x2d: {  	[tilespmem:s16], [sflag:$0x1] =	stream.indirect.gather [hbm4b:s4+s15], $0x80, s20, s15, $0xb8;
	[tilespmem:$0x1C800] =	vst v63  }
0x2e: {  	_ =	swait.ge [sflag:s21], $0x4000  }
0x2f: {  	[sflag:s21] =	ssyncset.done $0x0  }
0x30: {  	[sflag:s21] =	ssyncadd.s32 $0xFFFFC000  }
0x31: {  	[spmem:s2] =	stream.indirect.scatter.add.f32 [tilespmem:s17], [sflag:$0x4], $0x80, s22, s15, $0xb8;
	[tilespmem:$0x1C800] =	vst v63  }
0x32: {  	_ =	swait.ge [sflag:s23], $0x4000  }
0x33: {  	[sflag:s23] =	ssyncset.done $0x0  }
0x34: {  	[sflag:s23] =	ssyncadd.s32 $0xFFFFC000  }
0x35: {  	[tilespmem:s17], [sflag:$0x2] =	stream.indirect.gather [hbm4b:s4+s15], $0x80, s24, s15, $0xb8;
	[tilespmem:$0x1C800] =	vst v63  }
0x36: {  	_ =	swait.ge [sflag:s18], $0x4000  }
0x37: {  	[sflag:s18] =	ssyncset.done $0x0  }
0x38: {  	[sflag:s18] =	ssyncadd.s32 $0xFFFFC000  }
0x39: {  	[spmem:s2] =	stream.indirect.scatter.add.f32 [tilespmem:s16], [sflag:$0x3], $0x80, s25, s15, $0xb8;
	[tilespmem:$0x1C800] =	vst v63  }
0x3a: {  	_ =	swait.ge [sflag:s19], $0x4000  }
0x3b: {  	[sflag:s19] =	ssyncset.done $0x0  }
0x3c: {  	[sflag:s19] =	ssyncadd.s32 $0xFFFFC000  }
0x3d: {  	[tilespmem:s16], [sflag:$0x1] =	stream.indirect.gather [hbm4b:s4+s15], $0x80, s26, s15, $0xb8;
	[tilespmem:$0x1C800] =	vst v63  }
0x3e: {  	_ =	swait.ge [sflag:s21], $0x4000  }
0x3f: {  	[sflag:s21] =	ssyncset.done $0x0  }
0x40: {  	[sflag:s21] =	ssyncadd.s32 $0xFFFFC000  }
0x41: {  	[spmem:s2] =	stream.indirect.scatter.add.f32 [tilespmem:s17], [sflag:$0x4], $0x80, s28, s15, $0xb8;
	[tilespmem:$0x1C800] =	vst v63  }
0x42: {  	_ =	swait.ge [sflag:s23], $0x4000  }
0x43: {  	[sflag:s23] =	ssyncset.done $0x0  }
0x44: {  	[sflag:s23] =	ssyncadd.s32 $0xFFFFC000  }
0x45: {  	[tilespmem:s17], [sflag:$0x2] =	stream.indirect.gather [hbm4b:s4+s15], $0x80, s29, s15, $0xb8;
	[tilespmem:$0x1C800] =	vst v63  }
0x46: {  	_ =	swait.ge [sflag:s18], $0x4000  }
0x47: {  	[sflag:s18] =	ssyncset.done $0x0  }
0x48: {  	[sflag:s18] =	ssyncadd.s32 $0xFFFFC000  }
0x49: {  	[spmem:s2] =	stream.indirect.scatter.add.f32 [tilespmem:s16], [sflag:$0x3], $0x80, s30, s15, $0xb8;
	[tilespmem:$0x1C800] =	vst v63  }
0x4a: {  	_ =	swait.ge [sflag:s19], $0x4000  }
0x4b: {  	[sflag:s19] =	ssyncset.done $0x0  }
0x4c: {  	[sflag:s19] =	ssyncadd.s32 $0xFFFFC000  }
0x4d: {  	[tilespmem:s16], [sflag:$0x1] =	stream.indirect.gather [hbm4b:s4+s15], $0x80, s31, s15, $0xb8;
	[tilespmem:$0x1C800] =	vst v63  }
0x4e: {  	_ =	swait.ge [sflag:s21], $0x4000  }
0x4f: {  	[sflag:s21] =	ssyncset.done $0x0  }
0x50: {  	[sflag:s21] =	ssyncadd.s32 $0xFFFFC000  }
0x51: {  	[spmem:s2] =	stream.indirect.scatter.add.f32 [tilespmem:s17], [sflag:$0x4], $0x80, s0, s15, $0xb8;
	[tilespmem:$0x1C800] =	vst v63  }
0x52: {  	_ =	swait.ge [sflag:s23], $0x4000  }
0x53: {  	[sflag:s23] =	ssyncset.done $0x0  }
0x54: {  	[sflag:s23] =	ssyncadd.s32 $0xFFFFC000  }
0x55: {  	[tilespmem:s17], [sflag:$0x2] =	stream.indirect.gather [hbm4b:s4+s15], $0x80, s1, s15, $0xb8;
	[tilespmem:$0x1C800] =	vst v63  }
0x56: {  	_ =	swait.ge [sflag:s18], $0x4000  }
0x57: {  	[sflag:s18] =	ssyncset.done $0x0  }
0x58: {  	[sflag:s18] =	ssyncadd.s32 $0xFFFFC000  }
0x59: {  	[spmem:s2] =	stream.indirect.scatter.add.f32 [tilespmem:s16], [sflag:$0x3], $0x80, s7, s15, $0xb8;
	[tilespmem:$0x1C800] =	vst v63  }
0x5a: {  	_ =	swait.ge [sflag:s19], $0x4000  }
0x5b: {  	[sflag:s19] =	ssyncset.done $0x0  }
0x5c: {  	[sflag:s19] =	ssyncadd.s32 $0xFFFFC000  }
0x5d: {  	_ =	swait.ge [sflag:s21], $0x4000  }
0x5e: {  	[sflag:s21] =	ssyncset.done $0x0  }
0x5f: {  	[sflag:s21] =	ssyncadd.s32 $0xFFFFC000  }
0x60: {  	[spmem:s2] =	stream.indirect.scatter.add.f32 [tilespmem:s17], [sflag:$0x4], $0x80, s8, s15, $0xb8;
	[tilespmem:$0x1C800] =	vst v63  }
0x61: {  	_ =	swait.ge [sflag:s23], $0x4000  }
0x62: {  	[sflag:s23] =	ssyncset.done $0x0  }
0x63: {  	s5 =	rddreg [dreg:$0xc];
	[sflag:s23] =	ssyncadd.s32 $0xFFFFC000  }
.LBB2_6:
0x64: {  	s5 =	sadd.s32 $0x1, s5  }
0x65: {  	p1 =	sne.s32 s5, s9  }
.Ltmp1:
0x66: {  	[bflag:$0x0] =	sbarrier.arrive $0xFFFF;
	(pc) =	sbr.rel @!p1 .LBB2_7-.Ltmp1, $4  }
0x67: {  	[hbm:s6], [sflag:s10] =	dma.local [spmem:s12], $0x2800  }
0x68: {  	_ =	swait.ge [sflag:s13], $0x2800  }
0x69: {  	[sflag:s13] =	ssyncset.done $0x0  }
0x6a: {  	[sflag:s13] =	ssyncadd.s32 $0xFFFFD800  }
.LBB2_1:
0x6b: {  	[dreg:$0xc] =	wrdreg s5  }
0x6c: {  	s5 =	rddreg [dreg:$0x5]  }
0x6d: {  	[spmem:s12], [sflag:s10] =	dma.local [hbm:s5], $0x2800  }
.Ltmp2:
0x6e: {  	_ =	swait.ge [sflag:s13], $0x2800;
	(pc) =	sbr.rel @p0 .LBB2_5-.Ltmp2, $3  }
0x6f: {  	[sflag:s13] =	ssyncset.done $0x0  }
0x70: {  	[sflag:s13] =	ssyncadd.s32 $0xFFFFD800  }
0x71: {  	[bflag:$0x0] =	sbarrier.arrive $0xFFFF;
	_ =	sdelay $0x1  }
0x72: {  	s6 =	sadd.s32 $0x0, s11  }
0x73: {  	[tilespmem:s3], [sflag:$0x5] =	stream.linear.gather [hbm4b:s6+s3], $0x400, $0x38;
	[tilespmem:$0x1C800] =	vst v63  }
0x74: {  	_ =	swait.ge [sflag:s13], $0x400  }
0x75: {  	s12 =	rddreg [dreg:$0x4];
	[sflag:s13] =	ssyncset.done $0x0  }
0x76: {  	[sflag:s13] =	ssyncadd.s32 $0xFFFFFC00;
	s6 =	sadd.s32 $0x0, s12  }
0x77: {  	[tilespmem:s14], [sflag:$0x5] =	stream.linear.gather [hbm4b:s6+s3], $0x400, $0x38;
	[tilespmem:$0x1C800] =	vst v63  }
0x78: {  	_ =	swait.ge [sflag:s13], $0x400  }
0x79: {  	[sflag:s13] =	ssyncset.done $0x0  }
0x7a: {  	[sflag:s13] =	ssyncadd.s32 $0xFFFFFC00  }
0x7b: {  	[tilespmem:s16], [sflag:$0x1] =	stream.indirect.gather [hbm4b:s4+s15], $0x80, s3, s15, $0xb8;
	[tilespmem:$0x1C800] =	vst v63  }
0x7c: {  	_ = 	snop  }
0x7d: {  	[tilespmem:s17], [sflag:$0x2] =	stream.indirect.gather [hbm4b:s4+s15], $0x80, s15, s15, $0xb8;
	[tilespmem:$0x1C800] =	vst v63  }
0x7e: {  	_ =	swait.ge [sflag:s18], $0x4000  }
0x7f: {  	[sflag:s18] =	ssyncset.done $0x0  }
0x80: {  	[sflag:s18] =	ssyncadd.s32 $0xFFFFC000  }
0x81: {  	[spmem:s2] =	stream.indirect.scatter.add.f32 [tilespmem:s16], [sflag:$0x3], $0x80, s14, s15, $0xb8;
	[tilespmem:$0x1C800] =	vst v63  }
0x82: {  	_ =	swait.ge [sflag:s19], $0x4000  }
0x83: {  	[sflag:s19] =	ssyncset.done $0x0  }
0x84: {  	[sflag:s19] =	ssyncadd.s32 $0xFFFFC000  }
0x85: {  	[tilespmem:s16], [sflag:$0x1] =	stream.indirect.gather [hbm4b:s4+s15], $0x80, s20, s15, $0xb8;
	[tilespmem:$0x1C800] =	vst v63  }
0x86: {  	_ =	swait.ge [sflag:s21], $0x4000  }
0x87: {  	[sflag:s21] =	ssyncset.done $0x0  }
0x88: {  	[sflag:s21] =	ssyncadd.s32 $0xFFFFC000  }
0x89: {  	[spmem:s2] =	stream.indirect.scatter.add.f32 [tilespmem:s17], [sflag:$0x4], $0x80, s22, s15, $0xb8;
	[tilespmem:$0x1C800] =	vst v63  }
0x8a: {  	_ =	swait.ge [sflag:s23], $0x4000  }
0x8b: {  	[sflag:s23] =	ssyncset.done $0x0  }
0x8c: {  	[sflag:s23] =	ssyncadd.s32 $0xFFFFC000  }
0x8d: {  	[tilespmem:s17], [sflag:$0x2] =	stream.indirect.gather [hbm4b:s4+s15], $0x80, s24, s15, $0xb8;
	[tilespmem:$0x1C800] =	vst v63  }
0x8e: {  	_ =	swait.ge [sflag:s18], $0x4000  }
0x8f: {  	[sflag:s18] =	ssyncset.done $0x0  }
0x90: {  	[sflag:s18] =	ssyncadd.s32 $0xFFFFC000  }
0x91: {  	[spmem:s2] =	stream.indirect.scatter.add.f32 [tilespmem:s16], [sflag:$0x3], $0x80, s25, s15, $0xb8;
	[tilespmem:$0x1C800] =	vst v63  }
0x92: {  	_ =	swait.ge [sflag:s19], $0x4000  }
0x93: {  	[sflag:s19] =	ssyncset.done $0x0  }
0x94: {  	[sflag:s19] =	ssyncadd.s32 $0xFFFFC000  }
0x95: {  	[tilespmem:s16], [sflag:$0x1] =	stream.indirect.gather [hbm4b:s4+s15], $0x80, s26, s15, $0xb8;
	[tilespmem:$0x1C800] =	vst v63  }
0x96: {  	_ =	swait.ge [sflag:s21], $0x4000  }
0x97: {  	[sflag:s21] =	ssyncset.done $0x0  }
0x98: {  	[sflag:s21] =	ssyncadd.s32 $0xFFFFC000  }
0x99: {  	[spmem:s2] =	stream.indirect.scatter.add.f32 [tilespmem:s17], [sflag:$0x4], $0x80, s28, s15, $0xb8;
	[tilespmem:$0x1C800] =	vst v63  }
0x9a: {  	_ =	swait.ge [sflag:s23], $0x4000  }
0x9b: {  	[sflag:s23] =	ssyncset.done $0x0  }
0x9c: {  	[sflag:s23] =	ssyncadd.s32 $0xFFFFC000  }
0x9d: {  	[tilespmem:s17], [sflag:$0x2] =	stream.indirect.gather [hbm4b:s4+s15], $0x80, s29, s15, $0xb8;
	[tilespmem:$0x1C800] =	vst v63  }
0x9e: {  	_ =	swait.ge [sflag:s18], $0x4000  }
0x9f: {  	[sflag:s18] =	ssyncset.done $0x0  }
0xa0: {  	[sflag:s18] =	ssyncadd.s32 $0xFFFFC000  }
0xa1: {  	[spmem:s2] =	stream.indirect.scatter.add.f32 [tilespmem:s16], [sflag:$0x3], $0x80, s30, s15, $0xb8;
	[tilespmem:$0x1C800] =	vst v63  }
0xa2: {  	_ =	swait.ge [sflag:s19], $0x4000  }
0xa3: {  	[sflag:s19] =	ssyncset.done $0x0  }
0xa4: {  	[sflag:s19] =	ssyncadd.s32 $0xFFFFC000  }
0xa5: {  	[tilespmem:s16], [sflag:$0x1] =	stream.indirect.gather [hbm4b:s4+s15], $0x80, s31, s15, $0xb8;
	[tilespmem:$0x1C800] =	vst v63  }
0xa6: {  	_ =	swait.ge [sflag:s21], $0x4000  }
0xa7: {  	[sflag:s21] =	ssyncset.done $0x0  }
0xa8: {  	[sflag:s21] =	ssyncadd.s32 $0xFFFFC000  }
0xa9: {  	[spmem:s2] =	stream.indirect.scatter.add.f32 [tilespmem:s17], [sflag:$0x4], $0x80, s0, s15, $0xb8;
	[tilespmem:$0x1C800] =	vst v63  }
0xaa: {  	_ =	swait.ge [sflag:s23], $0x4000  }
0xab: {  	[sflag:s23] =	ssyncset.done $0x0  }
0xac: {  	[sflag:s23] =	ssyncadd.s32 $0xFFFFC000  }
0xad: {  	[tilespmem:s17], [sflag:$0x2] =	stream.indirect.gather [hbm4b:s4+s15], $0x80, s1, s15, $0xb8;
	[tilespmem:$0x1C800] =	vst v63  }
0xae: {  	_ =	swait.ge [sflag:s18], $0x4000  }
0xaf: {  	[sflag:s18] =	ssyncset.done $0x0  }
0xb0: {  	[sflag:s18] =	ssyncadd.s32 $0xFFFFC000  }
0xb1: {  	[spmem:s2] =	stream.indirect.scatter.add.f32 [tilespmem:s16], [sflag:$0x3], $0x80, s7, s15, $0xb8;
	[tilespmem:$0x1C800] =	vst v63  }
0xb2: {  	_ =	swait.ge [sflag:s19], $0x4000  }
0xb3: {  	[sflag:s19] =	ssyncset.done $0x0  }
0xb4: {  	[sflag:s19] =	ssyncadd.s32 $0xFFFFC000  }
0xb5: {  	_ =	swait.ge [sflag:s21], $0x4000  }
0xb6: {  	[sflag:s21] =	ssyncset.done $0x0  }
0xb7: {  	[sflag:s21] =	ssyncadd.s32 $0xFFFFC000  }
0xb8: {  	[spmem:s2] =	stream.indirect.scatter.add.f32 [tilespmem:s17], [sflag:$0x4], $0x80, s8, s15, $0xb8;
	[tilespmem:$0x1C800] =	vst v63  }
0xb9: {  	_ =	swait.ge [sflag:s23], $0x4000  }
0xba: {  	s9 =	simm.s32 $0x80;
	s10 =	simm.s32 $0x100;
	[sflag:s23] =	ssyncset.done $0x0  }
.LBB2_3:
0xbb: {  	s12 =	sadd.s32 s9, s11;
	[sflag:s23] =	ssyncadd.s32 $0xFFFFC000  }
0xbc: {  	[tilespmem:s3], [sflag:$0x5] =	stream.linear.gather [hbm4b:s12+s3], $0x400, $0x38;
	[tilespmem:$0x1C800] =	vst v63  }
0xbd: {  	s5 =	smov.u32 s10;
	_ =	swait.ge [sflag:s13], $0x400  }
0xbe: {  	s6 =	sadd.s32 $0x80, s10;
	s12 =	rddreg [dreg:$0x4];
	[sflag:s13] =	ssyncset.done $0x0  }
0xbf: {  	p1 =	seq.s32 s10, $0x900;
	[sflag:s13] =	ssyncadd.s32 $0xFFFFFC00;
	s10 =	sadd.s32 s9, s12  }
0xc0: {  	[tilespmem:s14], [sflag:$0x5] =	stream.linear.gather [hbm4b:s10+s3], $0x400, $0x38;
	[tilespmem:$0x1C800] =	vst v63  }
0xc1: {  	_ =	swait.ge [sflag:s13], $0x400  }
0xc2: {  	[sflag:s13] =	ssyncset.done $0x0  }
0xc3: {  	[sflag:s13] =	ssyncadd.s32 $0xFFFFFC00  }
0xc4: {  	[tilespmem:s16], [sflag:$0x1] =	stream.indirect.gather [hbm4b:s4+s15], $0x80, s3, s15, $0xb8;
	[tilespmem:$0x1C800] =	vst v63  }
0xc5: {  	_ = 	snop  }
0xc6: {  	[tilespmem:s17], [sflag:$0x2] =	stream.indirect.gather [hbm4b:s4+s15], $0x80, s15, s15, $0xb8;
	[tilespmem:$0x1C800] =	vst v63  }
0xc7: {  	_ =	swait.ge [sflag:s18], $0x4000  }
0xc8: {  	[sflag:s18] =	ssyncset.done $0x0  }
0xc9: {  	[sflag:s18] =	ssyncadd.s32 $0xFFFFC000  }
0xca: {  	[spmem:s2] =	stream.indirect.scatter.add.f32 [tilespmem:s16], [sflag:$0x3], $0x80, s14, s15, $0xb8;
	[tilespmem:$0x1C800] =	vst v63  }
0xcb: {  	_ =	swait.ge [sflag:s19], $0x4000  }
0xcc: {  	[sflag:s19] =	ssyncset.done $0x0  }
0xcd: {  	[sflag:s19] =	ssyncadd.s32 $0xFFFFC000  }
0xce: {  	[tilespmem:s16], [sflag:$0x1] =	stream.indirect.gather [hbm4b:s4+s15], $0x80, s20, s15, $0xb8;
	[tilespmem:$0x1C800] =	vst v63  }
0xcf: {  	_ =	swait.ge [sflag:s21], $0x4000  }
0xd0: {  	[sflag:s21] =	ssyncset.done $0x0  }
0xd1: {  	[sflag:s21] =	ssyncadd.s32 $0xFFFFC000  }
0xd2: {  	[spmem:s2] =	stream.indirect.scatter.add.f32 [tilespmem:s17], [sflag:$0x4], $0x80, s22, s15, $0xb8;
	[tilespmem:$0x1C800] =	vst v63  }
0xd3: {  	_ =	swait.ge [sflag:s23], $0x4000  }
0xd4: {  	[sflag:s23] =	ssyncset.done $0x0  }
0xd5: {  	[sflag:s23] =	ssyncadd.s32 $0xFFFFC000  }
0xd6: {  	[tilespmem:s17], [sflag:$0x2] =	stream.indirect.gather [hbm4b:s4+s15], $0x80, s24, s15, $0xb8;
	[tilespmem:$0x1C800] =	vst v63  }
0xd7: {  	_ =	swait.ge [sflag:s18], $0x4000  }
0xd8: {  	[sflag:s18] =	ssyncset.done $0x0  }
0xd9: {  	[sflag:s18] =	ssyncadd.s32 $0xFFFFC000  }
0xda: {  	[spmem:s2] =	stream.indirect.scatter.add.f32 [tilespmem:s16], [sflag:$0x3], $0x80, s25, s15, $0xb8;
	[tilespmem:$0x1C800] =	vst v63  }
0xdb: {  	_ =	swait.ge [sflag:s19], $0x4000  }
0xdc: {  	[sflag:s19] =	ssyncset.done $0x0  }
0xdd: {  	[sflag:s19] =	ssyncadd.s32 $0xFFFFC000  }
0xde: {  	[tilespmem:s16], [sflag:$0x1] =	stream.indirect.gather [hbm4b:s4+s15], $0x80, s26, s15, $0xb8;
	[tilespmem:$0x1C800] =	vst v63  }
0xdf: {  	_ =	swait.ge [sflag:s21], $0x4000  }
0xe0: {  	[sflag:s21] =	ssyncset.done $0x0  }
0xe1: {  	[sflag:s21] =	ssyncadd.s32 $0xFFFFC000  }
0xe2: {  	[spmem:s2] =	stream.indirect.scatter.add.f32 [tilespmem:s17], [sflag:$0x4], $0x80, s28, s15, $0xb8;
	[tilespmem:$0x1C800] =	vst v63  }
0xe3: {  	_ =	swait.ge [sflag:s23], $0x4000  }
0xe4: {  	[sflag:s23] =	ssyncset.done $0x0  }
0xe5: {  	[sflag:s23] =	ssyncadd.s32 $0xFFFFC000  }
0xe6: {  	[tilespmem:s17], [sflag:$0x2] =	stream.indirect.gather [hbm4b:s4+s15], $0x80, s29, s15, $0xb8;
	[tilespmem:$0x1C800] =	vst v63  }
0xe7: {  	_ =	swait.ge [sflag:s18], $0x4000  }
0xe8: {  	[sflag:s18] =	ssyncset.done $0x0  }
0xe9: {  	[sflag:s18] =	ssyncadd.s32 $0xFFFFC000  }
0xea: {  	[spmem:s2] =	stream.indirect.scatter.add.f32 [tilespmem:s16], [sflag:$0x3], $0x80, s30, s15, $0xb8;
	[tilespmem:$0x1C800] =	vst v63  }
0xeb: {  	_ =	swait.ge [sflag:s19], $0x4000  }
0xec: {  	[sflag:s19] =	ssyncset.done $0x0  }
0xed: {  	[sflag:s19] =	ssyncadd.s32 $0xFFFFC000  }
0xee: {  	[tilespmem:s16], [sflag:$0x1] =	stream.indirect.gather [hbm4b:s4+s15], $0x80, s31, s15, $0xb8;
	[tilespmem:$0x1C800] =	vst v63  }
0xef: {  	_ =	swait.ge [sflag:s21], $0x4000  }
0xf0: {  	[sflag:s21] =	ssyncset.done $0x0  }
0xf1: {  	[sflag:s21] =	ssyncadd.s32 $0xFFFFC000  }
0xf2: {  	[spmem:s2] =	stream.indirect.scatter.add.f32 [tilespmem:s17], [sflag:$0x4], $0x80, s0, s15, $0xb8;
	[tilespmem:$0x1C800] =	vst v63  }
0xf3: {  	_ =	swait.ge [sflag:s23], $0x4000  }
0xf4: {  	[sflag:s23] =	ssyncset.done $0x0  }
0xf5: {  	[sflag:s23] =	ssyncadd.s32 $0xFFFFC000  }
0xf6: {  	[tilespmem:s17], [sflag:$0x2] =	stream.indirect.gather [hbm4b:s4+s15], $0x80, s1, s15, $0xb8;
	[tilespmem:$0x1C800] =	vst v63  }
0xf7: {  	_ =	swait.ge [sflag:s18], $0x4000  }
0xf8: {  	[sflag:s18] =	ssyncset.done $0x0  }
0xf9: {  	[sflag:s18] =	ssyncadd.s32 $0xFFFFC000  }
0xfa: {  	[spmem:s2] =	stream.indirect.scatter.add.f32 [tilespmem:s16], [sflag:$0x3], $0x80, s7, s15, $0xb8;
	[tilespmem:$0x1C800] =	vst v63  }
0xfb: {  	_ =	swait.ge [sflag:s19], $0x4000  }
0xfc: {  	[sflag:s19] =	ssyncset.done $0x0  }
0xfd: {  	[sflag:s19] =	ssyncadd.s32 $0xFFFFC000  }
0xfe: {  	_ =	swait.ge [sflag:s21], $0x4000  }
.Ltmp3:
0xff: {  	[sflag:s21] =	ssyncset.done $0x0;
	(pc) =	sbr.rel @!p1 .LBB2_3-.Ltmp3, $4  }
0x100: {  	[sflag:s21] =	ssyncadd.s32 $0xFFFFC000  }
0x101: {  	[spmem:s2] =	stream.indirect.scatter.add.f32 [tilespmem:s17], [sflag:$0x4], $0x80, s8, s15, $0xb8;
	[tilespmem:$0x1C800] =	vst v63  }
0x102: {  	_ =	swait.ge [sflag:s23], $0x4000  }
0x103: {  	s9 =	smov.u32 s5;
	s10 =	smov.u32 s6;
	[sflag:s23] =	ssyncset.done $0x0  }
0x104: {  	s5 =	sadd.s32 s9, s11;
	[sflag:s23] =	ssyncadd.s32 $0xFFFFC000  }
0x105: {  	[tilespmem:s3], [sflag:$0x5] =	stream.linear.gather [hbm4b:s5+s3], $0x400, $0x38;
	[tilespmem:$0x1C800] =	vst v63  }
0x106: {  	_ =	swait.ge [sflag:s13], $0x400  }
0x107: {  	s12 =	rddreg [dreg:$0x4];
	[sflag:s13] =	ssyncset.done $0x0  }
0x108: {  	s5 =	sadd.s32 s9, s12;
	[sflag:s13] =	ssyncadd.s32 $0xFFFFFC00  }
0x109: {  	[tilespmem:s14], [sflag:$0x5] =	stream.linear.gather [hbm4b:s5+s3], $0x400, $0x38;
	[tilespmem:$0x1C800] =	vst v63  }
0x10a: {  	_ =	swait.ge [sflag:s13], $0x400  }
0x10b: {  	[sflag:s13] =	ssyncset.done $0x0  }
0x10c: {  	[sflag:s13] =	ssyncadd.s32 $0xFFFFFC00  }
0x10d: {  	[tilespmem:s16], [sflag:$0x1] =	stream.indirect.gather [hbm4b:s4+s15], $0x80, s3, s15, $0xb8;
	[tilespmem:$0x1C800] =	vst v63  }
0x10e: {  	_ = 	snop  }
0x10f: {  	[tilespmem:s17], [sflag:$0x2] =	stream.indirect.gather [hbm4b:s4+s15], $0x80, s15, s15, $0xb8;
	[tilespmem:$0x1C800] =	vst v63  }
0x110: {  	_ =	swait.ge [sflag:s18], $0x4000  }
0x111: {  	[sflag:s18] =	ssyncset.done $0x0  }
0x112: {  	[sflag:s18] =	ssyncadd.s32 $0xFFFFC000  }
0x113: {  	[spmem:s2] =	stream.indirect.scatter.add.f32 [tilespmem:s16], [sflag:$0x3], $0x80, s14, s15, $0xb8;
	[tilespmem:$0x1C800] =	vst v63  }
0x114: {  	_ =	swait.ge [sflag:s19], $0x4000  }
0x115: {  	[sflag:s19] =	ssyncset.done $0x0  }
0x116: {  	[sflag:s19] =	ssyncadd.s32 $0xFFFFC000  }
0x117: {  	[tilespmem:s16], [sflag:$0x1] =	stream.indirect.gather [hbm4b:s4+s15], $0x80, s20, s15, $0xb8;
	[tilespmem:$0x1C800] =	vst v63  }
0x118: {  	_ =	swait.ge [sflag:s21], $0x4000  }
0x119: {  	[sflag:s21] =	ssyncset.done $0x0  }
0x11a: {  	[sflag:s21] =	ssyncadd.s32 $0xFFFFC000  }
0x11b: {  	[spmem:s2] =	stream.indirect.scatter.add.f32 [tilespmem:s17], [sflag:$0x4], $0x80, s22, s15, $0xb8;
	[tilespmem:$0x1C800] =	vst v63  }
0x11c: {  	_ =	swait.ge [sflag:s23], $0x4000  }
0x11d: {  	[sflag:s23] =	ssyncset.done $0x0  }
0x11e: {  	[sflag:s23] =	ssyncadd.s32 $0xFFFFC000  }
0x11f: {  	[tilespmem:s17], [sflag:$0x2] =	stream.indirect.gather [hbm4b:s4+s15], $0x80, s24, s15, $0xb8;
	[tilespmem:$0x1C800] =	vst v63  }
0x120: {  	_ =	swait.ge [sflag:s18], $0x4000  }
0x121: {  	[sflag:s18] =	ssyncset.done $0x0  }
0x122: {  	[sflag:s18] =	ssyncadd.s32 $0xFFFFC000  }
0x123: {  	[spmem:s2] =	stream.indirect.scatter.add.f32 [tilespmem:s16], [sflag:$0x3], $0x80, s25, s15, $0xb8;
	[tilespmem:$0x1C800] =	vst v63  }
0x124: {  	_ =	swait.ge [sflag:s19], $0x4000  }
0x125: {  	[sflag:s19] =	ssyncset.done $0x0  }
0x126: {  	[sflag:s19] =	ssyncadd.s32 $0xFFFFC000  }
0x127: {  	[tilespmem:s16], [sflag:$0x1] =	stream.indirect.gather [hbm4b:s4+s15], $0x80, s26, s15, $0xb8;
	[tilespmem:$0x1C800] =	vst v63  }
0x128: {  	_ =	swait.ge [sflag:s21], $0x4000  }
0x129: {  	[sflag:s21] =	ssyncset.done $0x0  }
0x12a: {  	[sflag:s21] =	ssyncadd.s32 $0xFFFFC000  }
0x12b: {  	[spmem:s2] =	stream.indirect.scatter.add.f32 [tilespmem:s17], [sflag:$0x4], $0x80, s28, s15, $0xb8;
	[tilespmem:$0x1C800] =	vst v63  }
0x12c: {  	_ =	swait.ge [sflag:s23], $0x4000  }
0x12d: {  	[sflag:s23] =	ssyncset.done $0x0  }
0x12e: {  	[sflag:s23] =	ssyncadd.s32 $0xFFFFC000  }
0x12f: {  	[tilespmem:s17], [sflag:$0x2] =	stream.indirect.gather [hbm4b:s4+s15], $0x80, s29, s15, $0xb8;
	[tilespmem:$0x1C800] =	vst v63  }
0x130: {  	_ =	swait.ge [sflag:s18], $0x4000  }
0x131: {  	[sflag:s18] =	ssyncset.done $0x0  }
0x132: {  	[sflag:s18] =	ssyncadd.s32 $0xFFFFC000  }
0x133: {  	[spmem:s2] =	stream.indirect.scatter.add.f32 [tilespmem:s16], [sflag:$0x3], $0x80, s30, s15, $0xb8;
	[tilespmem:$0x1C800] =	vst v63  }
0x134: {  	_ =	swait.ge [sflag:s19], $0x4000  }
0x135: {  	[sflag:s19] =	ssyncset.done $0x0  }
0x136: {  	[sflag:s19] =	ssyncadd.s32 $0xFFFFC000  }
0x137: {  	[tilespmem:s16], [sflag:$0x1] =	stream.indirect.gather [hbm4b:s4+s15], $0x80, s31, s15, $0xb8;
	[tilespmem:$0x1C800] =	vst v63  }
0x138: {  	_ =	swait.ge [sflag:s21], $0x4000  }
0x139: {  	[sflag:s21] =	ssyncset.done $0x0  }
0x13a: {  	[sflag:s21] =	ssyncadd.s32 $0xFFFFC000  }
0x13b: {  	[spmem:s2] =	stream.indirect.scatter.add.f32 [tilespmem:s17], [sflag:$0x4], $0x80, s0, s15, $0xb8;
	[tilespmem:$0x1C800] =	vst v63  }
0x13c: {  	_ =	swait.ge [sflag:s23], $0x4000  }
0x13d: {  	[sflag:s23] =	ssyncset.done $0x0  }
0x13e: {  	[sflag:s23] =	ssyncadd.s32 $0xFFFFC000  }
0x13f: {  	[tilespmem:s17], [sflag:$0x2] =	stream.indirect.gather [hbm4b:s4+s15], $0x80, s1, s15, $0xb8;
	[tilespmem:$0x1C800] =	vst v63  }
0x140: {  	_ =	swait.ge [sflag:s18], $0x4000  }
0x141: {  	[sflag:s18] =	ssyncset.done $0x0  }
0x142: {  	[sflag:s18] =	ssyncadd.s32 $0xFFFFC000  }
0x143: {  	[spmem:s2] =	stream.indirect.scatter.add.f32 [tilespmem:s16], [sflag:$0x3], $0x80, s7, s15, $0xb8;
	[tilespmem:$0x1C800] =	vst v63  }
0x144: {  	_ =	swait.ge [sflag:s19], $0x4000  }
0x145: {  	[sflag:s19] =	ssyncset.done $0x0  }
0x146: {  	[sflag:s19] =	ssyncadd.s32 $0xFFFFC000  }
0x147: {  	_ =	swait.ge [sflag:s21], $0x4000  }
0x148: {  	[sflag:s21] =	ssyncset.done $0x0  }
0x149: {  	[sflag:s21] =	ssyncadd.s32 $0xFFFFC000  }
0x14a: {  	[spmem:s2] =	stream.indirect.scatter.add.f32 [tilespmem:s17], [sflag:$0x4], $0x80, s8, s15, $0xb8;
	[tilespmem:$0x1C800] =	vst v63  }
0x14b: {  	_ =	swait.ge [sflag:s23], $0x4000  }
.Ltmp4:
0x14c: {  	s10 =	rddreg [dreg:$0x6];
	(pc) =	sbr.rel .LBB2_6-.Ltmp4, $4  }
0x14d: {  	s6 =	rddreg [dreg:$0x9]  }
0x14e: {  	s9 =	rddreg [dreg:$0xa]  }
0x14f: {  	[sflag:s23] =	ssyncset.done $0x0;
	s12 =	rddreg [dreg:$0xb]  }
0x150: {  	s5 =	rddreg [dreg:$0xc];
	[sflag:s23] =	ssyncadd.s32 $0xFFFFC000  }
.LBB2_7:
0x151: {  	_ =	sfence.sel $0x180000  }
0x152: {  	[bflag:$0x0] =	sbarrier.arrive $0xFFFF  }
0x153: {  	_ =	strace $0x9000004D  }
0x154: {  	s0 =	stileid.u32;
	[bflag:$0x2] =	sbarrier.arrive $0xFFFF  }
0x155: {  	p0 =	sne.s32 s0, $0x0;
	s0 =	rddreg [dreg:$0x3]  }
0x156: {  	s0 =	sadd.s32 @!p0 $0x100000, s0  }
0x157: {  	[sflag:s0] =	ssyncadd.tile.s32 @!p0 $0x1;
	_ =	shalt  }
.Lfunc_end2:
_tile_overlayer_lowered:
.L_overlay_start_2:
0x158: {  	(tag) =	ssettag $0x2  }
0x159: {  	s0 =	rddreg [dreg:$0x0];
	s2 =	stileid.u32  }
0x15a: {  	s1 =	rddreg [dreg:$0x1];
	p0 =	sne.s32 s2, $0x0  }
0x15b: {  	s3 =	rddreg [dreg:$0x2];
	[bflag:$0x3] =	sbarrier.arrive $0xFFFF;
	s2 =	simm.s32 @!p0 $0x1C05  }
0x15c: {  	[timem:s3], [sflag:s2] =	dma.local @!p0 [hbm:s0], s1  }
0x15d: {  	s0 =	simm.s32 @!p0 $0x5  }
0x15e: {  	_ =	swait.ge @!p0 [sflag:s0], s1  }
0x15f: {  	s1 =	ssub.s32 @!p0 $0x0, s1;
	[sflag:s0] =	ssyncset.done @!p0 $0x0  }
0x160: {  	[sflag:s0] =	ssyncadd.s32 @!p0 s1  }
0x161: {  	[bflag:$0x3] =	sbarrier.arrive $0xFFFF  }
0x162: {  	_ =	shalt  }

// kernel: kernel.8.cloned.1.call-start
scs
__scs_entry_jumppad:
0x0: {  	(pc) =	sbr.rel $0x88, $3  }
0x1: {  	(tag) =	ssettag $0x0;
	lr =	simm.s32 $0x1  }
0x2: {  	[smem:$0x3F99] =	sst lr;
	_ =	strace $0xD0000000  }
0x3: {  	_ = 	snop  }
0x4: {  	_ = 	snop  }
0x5: {  	_ = 	snop  }
0x6: {  	_ = 	snop  }
0x7: {  	_ = 	snop  }
__scs_overlays_trampoline_lowered:
0x8: {  	[smem:$0x3FA8] =	sst s0  }
0x9: {  	[smem:$0x3FA9] =	sst s1  }
0xa: {  	[smem:$0x3FAA] =	sst s2  }
0xb: {  	[smem:$0x3FAB] =	sst s3  }
0xc: {  	[smem:$0x3FAC] =	sst s4  }
0xd: {  	[smem:$0x3FAD] =	sst s5  }
0xe: {  	[smem:$0x3FAE] =	sst s6  }
0xf: {  	[smem:$0x3FAF] =	sst s7  }
0x10: {  	[smem:$0x3FB0] =	sst s8  }
0x11: {  	[smem:$0x3FB1] =	sst s9;
	s0 =	simm.s32 @!p0 $0x0  }
0x12: {  	s1 =	sld [smem:$0x3F97];
	s0 =	simm.s32 @p0 $0x1  }
0x13: {  	[smem:$0x3FB2] =	sst s0;
	s0 =	simm.s32 @!p1 $0x0  }
0x14: {  	s2 =	sld [smem:$0x3F96];
	s0 =	simm.s32 @p1 $0x1  }
0x15: {  	[smem:$0x3FB3] =	sst s0;
	s0 =	simm.s32 @!p2 $0x0  }
0x16: {  	s3 =	sld [smem:$0x3FDB];
	s0 =	simm.s32 @p2 $0x1  }
0x17: {  	s4 =	simm.s32 $0x1BF5;
	[smem:$0x3FB5] =	sst s0  }
0x18: {  	s0 =	sld [smem:$0x3F98];
	_ =	swait.ge [sflag:s4], $0x0  }
0x19: {  	s7 =	sld [smem:$0x3F99]  }
0x1a: {  	s8 =	sadd.s32 $0xFFFFE003, lr  }
0x1b: {  	s9 =	sadd.s32 $0xFFFFFEF7, lr;
	s5 =	simm.s32 $0xFFFFFFFF;
	p2 =	slt.u32 s8, $0xFFFFF086  }
0x1c: {  	p1 =	slt.u32 s9, $0xF7A;
	s5 =	simm.s32 @!p2 $0x0  }
0x1d: {  	s5 =	simm.s32 @p1 $0x1;
	p0 =	seq.s32 s7, s2  }
0x1e: {  	s7 =	smul.u32 @!p0 $0xF7A, s2;
	p2 =	seq.s32 @!p0 s5, $0x0  }
0x1f: {  	s9 =	smul.u32 $0xF7A, s1;
	s8 =	simm.s32 @!p0 $0x1BF5;
	p2 =	por !p2, p0  }
0x20: {  	[sflag:s8] =	ssyncset.s32 @!p0 $0xFFFFF086;
	s6 =	sadd.s32 @!p0 s3, s7;
	s7 =	simm.s32 @!p0 $0x108  }
0x21: {  	s3 =	sadd.s32 s3, s9;
	s6 =	sadd.s32 @!p0 $0x88, s6;
	s7 =	simm.s32 @p2 $0x1082  }
0x22: {  	[simem:s7], [sflag:s8] =	dma.local @!p0 [hbm:s6], $0xF7A  }
0x23: {  	s9 =	sor.u32 $0xD0000000, s2;
	s6 =	simm.s32 $0x108;
	_ =	swait.ge @!p0 [sflag:s8], $0x0  }
0x24: {  	s3 =	sadd.s32 $0x88, s3;
	s6 =	simm.s32 @!p1 $0x1082;
	[sflag:s4] =	ssyncset.s32 $0xFFFFF086  }
0x25: {  	[simem:s6], [sflag:s4] =	dma.local [hbm:s3], $0xF7A  }
0x26: {  	[smem:$0x3F99] =	sst s1;
	(tag) =	ssettag s2;
	_ =	strace s9  }
0x27: {  	s1 =	sld [smem:$0x3FA9]  }
0x28: {  	s2 =	sld [smem:$0x3FAA]  }
0x29: {  	s4 =	sld [smem:$0x3FAC]  }
0x2a: {  	p0 =	seq.s32 s5, $0x0;
	s5 =	sld [smem:$0x3FAD]  }
0x2b: {  	s6 =	sld [smem:$0x3FAE]  }
0x2c: {  	s7 =	sld [smem:$0x3FAF]  }
0x2d: {  	s3 =	simm.s32 $0x108;
	s8 =	sld [smem:$0x3FB0]  }
0x2e: {  	s3 =	simm.s32 @!p0 $0x1082;
	s9 =	sld [smem:$0x3FB1]  }
0x2f: {  	lr =	sadd.s32 s0, s3;
	s0 =	sld [smem:$0x3FA8]  }
0x30: {  	s3 =	sld [smem:$0x3FAB]  }
0x31: {  	[smem:$0x3FB4] =	sst s10  }
0x32: {  	s10 =	sld [smem:$0x3FB2];
	_ =	sdelay $0x3  }
0x33: {  	p0 =	seq.s32 s10, $0x1;
	s10 =	sld [smem:$0x3FB4];
	_ =	sdelay $0x3  }
0x34: {  	[smem:$0x3FB4] =	sst s10  }
0x35: {  	s10 =	sld [smem:$0x3FB3];
	_ =	sdelay $0x3  }
0x36: {  	p1 =	seq.s32 s10, $0x1;
	s10 =	sld [smem:$0x3FB4];
	_ =	sdelay $0x3  }
0x37: {  	[smem:$0x3FB4] =	sst s10  }
0x38: {  	s10 =	sld [smem:$0x3FB5]  }
0x39: {  	_ = 	snop;
	(pc) =	sbr.ind lr, $3  }
0x3a: {  	_ = 	snop  }
0x3b: {  	_ = 	snop  }
0x3c: {  	p2 =	seq.s32 s10, $0x1;
	s10 =	sld [smem:$0x3FB4]  }
0x3d: {  	_ =	shalt  }
0x3e: {  	_ =	shalt  }
0x3f: {  	_ =	shalt  }
0x40: {  	_ =	shalt  }
0x41: {  	_ =	shalt  }
0x42: {  	_ =	shalt  }
0x43: {  	_ =	shalt  }
0x44: {  	_ =	shalt  }
0x45: {  	_ =	shalt  }
0x46: {  	_ =	shalt  }
0x47: {  	_ =	shalt  }
0x48: {  	_ =	shalt  }
0x49: {  	_ =	shalt  }
0x4a: {  	_ =	shalt  }
0x4b: {  	_ =	shalt  }
0x4c: {  	_ =	shalt  }
0x4d: {  	_ =	shalt  }
0x4e: {  	_ =	shalt  }
0x4f: {  	_ =	shalt  }
0x50: {  	_ =	shalt  }
0x51: {  	_ =	shalt  }
0x52: {  	_ =	shalt  }
0x53: {  	_ =	shalt  }
0x54: {  	_ =	shalt  }
0x55: {  	_ =	shalt  }
0x56: {  	_ =	shalt  }
0x57: {  	_ =	shalt  }
0x58: {  	_ =	shalt  }
0x59: {  	_ =	shalt  }
0x5a: {  	_ =	shalt  }
0x5b: {  	_ =	shalt  }
0x5c: {  	_ =	shalt  }
0x5d: {  	_ =	shalt  }
0x5e: {  	_ =	shalt  }
0x5f: {  	_ =	shalt  }
0x60: {  	_ =	shalt  }
0x61: {  	_ =	shalt  }
0x62: {  	_ =	shalt  }
0x63: {  	_ =	shalt  }
0x64: {  	_ =	shalt  }
0x65: {  	_ =	shalt  }
0x66: {  	_ =	shalt  }
0x67: {  	_ =	shalt  }
0x68: {  	_ =	shalt  }
0x69: {  	_ =	shalt  }
0x6a: {  	_ =	shalt  }
0x6b: {  	_ =	shalt  }
0x6c: {  	_ =	shalt  }
0x6d: {  	_ =	shalt  }
0x6e: {  	_ =	shalt  }
0x6f: {  	_ =	shalt  }
0x70: {  	_ =	shalt  }
0x71: {  	_ =	shalt  }
0x72: {  	_ =	shalt  }
0x73: {  	_ =	shalt  }
0x74: {  	_ =	shalt  }
0x75: {  	_ =	shalt  }
0x76: {  	_ =	shalt  }
0x77: {  	_ =	shalt  }
0x78: {  	_ =	shalt  }
0x79: {  	_ =	shalt  }
0x7a: {  	_ =	shalt  }
0x7b: {  	_ =	shalt  }
0x7c: {  	_ =	shalt  }
0x7d: {  	_ =	shalt  }
0x7e: {  	_ =	shalt  }
0x7f: {  	_ =	shalt  }
0x80: {  	_ =	shalt  }
0x81: {  	_ =	shalt  }
0x82: {  	_ =	shalt  }
0x83: {  	_ =	shalt  }
0x84: {  	_ =	shalt  }
0x85: {  	_ =	shalt  }
0x86: {  	_ =	shalt  }
0x87: {  	_ =	shalt  }
.Lfunc_end0:
.L_simem_size_0:
called_computation_lowered:
.L_overlay_start_0:
0x88: {  	s2 =	sld [smem:$0x3FD9]  }
0x89: {  	s3 =	sld [smem:$0x3FFE];
	_ =	sdelay $0x1  }
0x8a: {  	s1 =	srdreg.scid  }
0x8b: {  	s0 =	sand.u32 $0x1, s1  }
0x8c: {  	s16 =	sshll.u32 s0, $0xA;
	s2 =	sadd.s32 s3, s2  }
0x8d: {  	s2 =	sadd.s32 s2, s16  }
0x8e: {  	[smem:$0x3FC0] =	sst s2  }
0x8f: {  	_ = 	snop  }
0x90: {  	(tm) =	ssettm $0x1  }
0x91: {  	s17 =	sld [smem:$0x3FFB];
	_ =	sdelay $0x3  }
0x92: {  	_ =	strace s17  }
0x93: {  	s2 =	sld [smem:$0x3FFC];
	_ =	sdelay $0x3  }
0x94: {  	_ =	strace s2  }
0x95: {  	s2 =	sld [smem:$0x3FFD];
	_ =	sdelay $0x3  }
0x96: {  	_ =	strace s2  }
0x97: {  	_ =	strace $0x8FFFFFFF  }
0x98: {  	s18 =	sld [smem:$0x3FDB];
	_ =	sdelay $0x1  }
0x99: {  	s19 =	simm.s32 $_scs_section_size  }
0x9a: {  	s4 =	simm.s32 $_size__tile_overlayer_lowered;
	s5 =	simm.s32 $_tile_overlayer_lowered  }
0x9b: {  	s22 =	simm.s32 $0x1BFF;
	s21 =	sshll.u32 s5, $0x1;
	s2 =	sadd.s32 s19, s18  }
0x9c: {  	s6 =	simm.s32 $0x0;
	s20 =	sshll.u32 s4, $0x1;
	s4 =	sadd.s32 s21, s2  }
0x9d: {  	[timem:s6], [sflag:s22] =	dma.local [hbm:s4], s20  }
0x9e: {  	_ =	swait.ge [sflag:s22], s20  }
0x9f: {  	s3 =	ssub.s32 $0x0, s20;
	[sflag:s22] =	ssyncset.done $0x0  }
0xa0: {  	[sflag:s22] =	ssyncadd.s32 s3;
	_ =	sdelay $0x1  }
0xa1: {  	s23 =	simm.s32 $0x1B8B  }
0xa2: {  	_ =	swait.ge [sflag:s23], $0x1  }
0xa3: {  	[sflag:s23] =	ssyncset.done $0x0  }
0xa4: {  	s25 =	simm.s32 $0x1B8E;
	s24 =	sld [smem:$0x3FFE];
	[sflag:s23] =	ssyncadd.s32 $0xFFFFFFFF  }
0xa5: {  	s26 =	simm.s32 $execute0_lowered;
	[smem:$0x3FD2] =	sst s25  }
0xa6: {  	s4 =	sshll.u32 s26, $0x1;
	_ =	strace $0x80000046;
	[dreg:$0x1] =	wrdreg $0xFFFFFFFF  }
0xa7: {  	s28 =	simm.s32 $_size_execute0_lowered;
	s2 =	sadd.s32 s2, s4;
	[dreg:$0x0] =	wrdreg $0x0  }
0xa8: {  	s4 =	sshll.u32 s28, $0x1;
	[dreg:$0x2] =	wrdreg s2  }
0xa9: {  	[dreg:$0x3] =	wrdreg s4  }
0xaa: {  	[dreg:$0x4] =	wrdreg $0xC0  }
0xab: {  	_ =	task [dreg:s6], $0x5FFFF  }
0xac: {  	[dreg:$0x1] =	wrdreg $0xFFFFFFFF  }
0xad: {  	[dreg:$0x0] =	wrdreg $0x60  }
0xae: {  	[dreg:$0x2] =	wrdreg s24  }
0xaf: {  	[dreg:$0x3] =	wrdreg $0x28800  }
0xb0: {  	[dreg:$0x4] =	wrdreg $0x9  }
0xb1: {  	_ =	task.clear_ibuf [dreg:s6], $0x5FFFF;
	_ =	strace $0x90000046  }
0xb2: {  	s29 =	simm.s32 $0x9;
	_ =	strace $0x80000048  }
0xb3: {  	_ =	swait.ge [sflag:s29], $0x1  }
0xb4: {  	[sflag:s29] =	ssyncadd.s32 $0xFFFFFFFF  }
0xb5: {  	_ =	strace $0x90000048  }
0xb6: {  	_ =	sfence  }
0xb7: {  	s30 =	sld [smem:$0x0];
	_ =	sdelay $0x2  }
0xb8: {  	s31 =	sshll.u32 s1, $0xD;
	s1 =	sshrl.u32 s1, $0x2  }
0xb9: {  	s3 =	sand.u32 $0x4000, s31;
	s1 =	sadd.s32 s1, s30  }
0xba: {  	s0 =	sor.u32 s3, s0;
	s1 =	sshll.u32 s1, $0x11  }
0xbb: {  	s0 =	sor.u32 s1, s0  }
0xbc: {  	s0 =	sadd.s32 $0x8F2B, s0  }
0xbd: {  	[sflag:s0] =	ssyncadd.remote.s32 $0x1  }
0xbe: {  	_ =	sfence.sel $0xFFFF  }
0xbf: {  	[dreg:$0x0] =	wrdreg $0xFFFFFFFF;
	(pc) =	sbr.abs _section_cstart, $3  }
0xc0: {  	[dreg:$0x1] =	wrdreg $0xFFFFFFFF  }
0xc1: {  	_ =	task.clear_ibuf [dreg:s6], $0x2FFFF;
	_ =	strace $0x9FFFFFFF  }
0xc2: {  	(tm) =	ssettm $0x7FFFFFFF  }
0xc3: {  	_ =	shalt  }
tec
execute0_lowered:
.L_overlay_start_1:
0x0: {  	(tag) =	ssettag $0x1  }
0x1: {  	s1 =	srdreg.scid;
	s5 =	rddreg [dreg:$0x0]  }
0x2: {  	s0 =	stileid.u32;
	s2 =	rddreg [dreg:$0x1];
	s3 =	simm.s32 $0x0  }
0x3: {  	s12 =	simm.s32 $0x2800;
	s13 =	simm.s32 $0x20;
	s14 =	simm.s32 $0x10  }
0x4: {  	s15 =	simm.s32 $0x0;
	s4 =	sand.u32 $0x1, s1;
	s7 =	smul.u32 $0x500, s0  }
0x5: {  	s28 =	sshll.u32 s0, $0x1;
	[smem:$0x7FF] =	sst s3;
	s8 =	smul.u32 $0x280, s0  }
0x6: {  	s31 =	sshll.u32 s0, $0x6;
	s1 =	sor.u32 s4, s28;
	s9 =	sshll.u32 s4, $0x7  }
0x7: {  	s4 =	ssub.s32 $0x2, s4;
	s6 =	smul.u32 $0x500, s1;
	s1 =	rddreg [dreg:$0x2]  }
0x8: {  	_ =	strace $0x80000047;
	s7 =	sor.u32 s9, s7;
	s29 =	sshrl.u32 s8, $0x3  }
0x9: {  	s30 =	sshrl.u32 s4, $0x1;
	s11 =	sadd.s32 s8, s2;
	s7 =	sshrl.u32 s7, $0x3  }
0xa: {  	s9 =	sadd.s32 s29, s5;
	s10 =	ssub.s32 s4, s30;
	s6 =	sadd.s32 s6, s5  }
0xb: {  	s7 =	sadd.s32 s7, s5;
	s4 =	sadd.s32 $0xC200, s9;
	s5 =	sor.u32 $0x1C01, s31  }
0xc: {  	s8 =	smax.u32 s10, $0x1;
	s9 =	sshrl.u32 s11, $0x3;
	s10 =	simm.s32 $0x1  }
0xd: {  	v0 =	vimm.f32 $1.000000000e+00;
	s11 =	simm.s32 $0x80;
	s6 =	sadd.s32 $0x2200, s6;
	s7 =	sadd.s32 $0xC800, s7  }
.LBB2_1:
0xe: {  	[spmem:s9], [sflag:s5] =	dma.local [hbm:s4], $0x50  }
0xf: {  	_ =	swait.ge [sflag:s10], $0x50  }
0x10: {  	[sflag:s10] =	ssyncset.done $0x0  }
0x11: {  	[sflag:s10] =	ssyncadd.s32 $0xFFFFFFB0  }
0x12: {  	[tilespmem:s3], [sflag:$0x1] =	stream.linear.gather [hbm4b:s6+s3], $0x2800, $0x38;
	[tilespmem:$0x2B00] =	vst v63  }
0x13: {  	_ =	swait.ge [sflag:s10], $0x2800  }
0x14: {  	[sflag:s10] =	ssyncset.done $0x0  }
0x15: {  	[sflag:s10] =	ssyncadd.s32 $0xFFFFD800  }
0x16: {  	[tilespmem:$0x2800] =	vst v0  }
0x17: {  	[tilespmem:$0x2810] =	vst v0  }
0x18: {  	[tilespmem:$0x2820] =	vst v0  }
0x19: {  	[tilespmem:$0x2830] =	vst v0  }
0x1a: {  	[tilespmem:$0x2840] =	vst v0  }
0x1b: {  	[tilespmem:$0x2850] =	vst v0  }
0x1c: {  	[tilespmem:$0x2860] =	vst v0  }
0x1d: {  	[tilespmem:$0x2870] =	vst v0  }
0x1e: {  	s16 =	simm.s32 $0x0;
	[bflag:$0x0] =	sbarrier.arrive $0xFFFF  }
0x1f: {  	[spmem:s2] =	stream.indirect.scatter.add.f32 [tilespmem:s12], [sflag:$0x1], $0x1, s16, s11, $0xb8;
	[tilespmem:$0x2B00] =	vst v63  }
0x20: {  	_ =	swait.ge [sflag:s10], $0x80  }
0x21: {  	s16 =	simm.s32 $0x200;
	[sflag:s10] =	ssyncset.done $0x0  }
.LBB2_2:
0x22: {  	s17 =	sshra.s32 s16, $0x2;
	[sflag:s10] =	ssyncadd.s32 $0xFFFFFF80;
	p0 =	sne.s32 s16, $0x9E00  }
0x23: {  	[spmem:s2] =	stream.indirect.scatter.add.f32 [tilespmem:s12], [sflag:$0x1], $0x1, s17, s11, $0xb8;
	[tilespmem:$0x2B00] =	vst v63  }
.Ltmp0:
0x24: {  	_ = 	snop;
	(pc) =	sbr.rel @p0 .LBB2_2-.Ltmp0, $4  }
0x25: {  	_ = 	snop  }
0x26: {  	s16 =	sadd.s32 $0x200, s16  }
0x27: {  	_ =	swait.ge [sflag:s10], $0x80  }
0x28: {  	[sflag:s10] =	ssyncset.done $0x0  }
0x29: {  	s15 =	sadd.s32 $0x1, s15  }
0x2a: {  	[sflag:s10] =	ssyncadd.s32 $0xFFFFFF80;
	p0 =	sne.s32 s15, s8  }
.Ltmp1:
0x2b: {  	[bflag:$0x0] =	sbarrier.arrive $0xFFFF;
	(pc) =	sbr.rel @p0 .LBB2_1-.Ltmp1, $4  }
0x2c: {  	[hbm:s7@s13], [sflag:s5] =	dma.strided [spmem:s9@s14], $0x50, s10, $0x10   }
0x2d: {  	_ =	swait.ge [sflag:s10], $0x50  }
0x2e: {  	[sflag:s10] =	ssyncset.done $0x0  }
0x2f: {  	[sflag:s10] =	ssyncadd.s32 $0xFFFFFFB0  }
0x30: {  	_ =	sfence.sel $0x180000  }
0x31: {  	[bflag:$0x0] =	sbarrier.arrive $0xFFFF  }
0x32: {  	p0 =	sne.s32 s0, $0x0;
	_ =	strace $0x90000047  }
0x33: {  	s0 =	sadd.s32 @!p0 $0x100000, s1;
	[bflag:$0x2] =	sbarrier.arrive $0xFFFF  }
0x34: {  	[sflag:s0] =	ssyncadd.tile.s32 @!p0 $0x1;
	_ =	shalt  }
.Lfunc_end2:
_tile_overlayer_lowered:
.L_overlay_start_2:
0x35: {  	(tag) =	ssettag $0x2  }
0x36: {  	s0 =	rddreg [dreg:$0x0];
	s2 =	stileid.u32  }
0x37: {  	s1 =	rddreg [dreg:$0x1];
	p0 =	sne.s32 s2, $0x0  }
0x38: {  	s3 =	rddreg [dreg:$0x2];
	[bflag:$0x3] =	sbarrier.arrive $0xFFFF;
	s2 =	simm.s32 @!p0 $0x1C01  }
0x39: {  	[timem:s3], [sflag:s2] =	dma.local @!p0 [hbm:s0], s1  }
0x3a: {  	s0 =	simm.s32 @!p0 $0x1  }
0x3b: {  	_ =	swait.ge @!p0 [sflag:s0], s1  }
0x3c: {  	s1 =	ssub.s32 @!p0 $0x0, s1;
	[sflag:s0] =	ssyncset.done @!p0 $0x0  }
0x3d: {  	[sflag:s0] =	ssyncadd.s32 @!p0 s1  }
0x3e: {  	[bflag:$0x3] =	sbarrier.arrive $0xFFFF  }
0x3f: {  	_ =	shalt  }

</sc_bundles>
